<compile_context>
chip_gen: v7x
topology: tpu7x:2x2x1
jax: 0.10.2.dev20260603
libtpu: 0.0.44.dev20260713+nightly
codegen_flags: <defaults>
</compile_context>

<pallas_src>
import functools

import jax
import jax.numpy as jnp
from jax import lax
from jax.experimental import pallas as pl
from jax.experimental.pallas import tpu as pltpu
from jax.experimental.pallas import tpu_sc as plsc

_N = 10000
_E = 320000
_H = 8
_F = 16
_D1 = 136
_D2 = 16
_NC = 2
_NS = 16
_NTILES = _NC * _NS
_EPT = _E // _NTILES
_CHUNK = 100
_NCH = _EPT // _CHUNK
_RPS = 624
_RTAIL = _N - _NS * _RPS


def _tc1_body(x_ref, w_ref, al_ref, ar_ref, zext_ref, r_ref):
    z = jnp.dot(x_ref[...], w_ref[...], preferred_element_type=jnp.float32)
    el = jnp.dot(z, al_ref[...], preferred_element_type=jnp.float32)
    er = jnp.dot(z, ar_ref[...], preferred_element_type=jnp.float32)
    zext_ref[...] = jnp.concatenate([z, el], axis=1)
    r_ref[...] = jnp.concatenate([er, er], axis=1)


def _tc1(x, W1, AL, AR):
    return pl.pallas_call(
        _tc1_body,
        out_shape=(
            jax.ShapeDtypeStruct((_N, _D1), jnp.float32),
            jax.ShapeDtypeStruct((_N, 16), jnp.float32),
        ),
    )(x, W1, AL, AR)


def _sc_edge_pass1(src3, dst3, zext, rtab):
    mesh = plsc.VectorSubcoreMesh(core_axis_name="c", subcore_axis_name="s")
    zeros = jnp.zeros((_N, _D1), jnp.float32)

    @functools.partial(
        pl.kernel,
        mesh=mesh,
        out_type=jax.ShapeDtypeStruct((_NC, _N, _D1), jnp.float32),
        compiler_params=pltpu.CompilerParams(use_tc_tiling_on_sc=False,
                                             needs_layout_passes=False),
        scratch_types=[
            pltpu.VMEM_SHARED((_N, _D1), jnp.float32),
            pltpu.VMEM((_NCH, _CHUNK), jnp.int32),
            pltpu.VMEM((_CHUNK,), jnp.int32),
            pltpu.VMEM((_CHUNK,), jnp.int32),
            pltpu.VMEM((_CHUNK, 16), jnp.float32),
            pltpu.VMEM((_CHUNK, 16), jnp.float32),
            pltpu.VMEM((_CHUNK, _D1), jnp.float32),
            pltpu.VMEM((_CHUNK, _D1), jnp.float32),
            pltpu.SemaphoreType.DMA,
            pltpu.SemaphoreType.DMA,
            pltpu.SemaphoreType.DMA,
            pltpu.SemaphoreType.DMA,
            pltpu.SemaphoreType.DMA,
            pltpu.SemaphoreType.DMA,
        ],
    )
    def k(src_hbm, dst_hbm, z_hbm, r_hbm, zero_hbm, out_hbm,
          acc, dstv, sv0, sv1, rv0, rv1, zv0, zv1,
          sg0, sg1, ss0, ss1, si0, si1):
        cid = lax.axis_index("c")
        sid = lax.axis_index("s")
        wid = cid * _NS + sid
        sv = (sv0, sv1)
        rv = (rv0, rv1)
        zv = (zv0, zv1)
        sg = (sg0, sg1)
        ss = (ss0, ss1)
        si = (si0, si1)

        pltpu.sync_copy(zero_hbm.at[pl.ds(sid * _RPS, _RPS)],
                        acc.at[pl.ds(sid * _RPS, _RPS)])

        @pl.when(sid == _NS - 1)
        def _zero_tail():
            pltpu.sync_copy(zero_hbm.at[pl.ds(_NS * _RPS, _RTAIL)],
                            acc.at[pl.ds(_NS * _RPS, _RTAIL)])

        pltpu.sync_copy(dst_hbm.at[wid], dstv)
        plsc.subcore_barrier()

        iota16 = lax.iota(jnp.int32, 16)

        def issue_src(b, g):
            pltpu.async_copy(src_hbm.at[wid, g], sv[b], si[b])

        def wait_src(b, g):
            pltpu.make_async_copy(src_hbm.at[wid, g], sv[b], si[b]).wait()

        def issue_gather(b, g):
            pltpu.async_copy(r_hbm.at[dstv.at[g]], rv[b], sg[b])
            pltpu.async_copy(z_hbm.at[sv[b]], zv[b], sg[b])

        def wait_gather(b, g):
            pltpu.make_async_copy(r_hbm.at[dstv.at[g]], rv[b], sg[b]).wait()
            pltpu.make_async_copy(z_hbm.at[sv[b]], zv[b], sg[b]).wait()

        def issue_scatter(b, g):
            pltpu.async_copy(zv[b], acc.at[dstv.at[g]], ss[b], add=True)

        def wait_scatter(b, g):
            pltpu.make_async_copy(zv[b], acc.at[dstv.at[g]], ss[b]).wait()

        def compute(b):
            z = zv[b]
            r = rv[b]

            @plsc.parallel_loop(0, _CHUNK, unroll=2)
            def _msg(ci):
                v = z[ci, pl.ds(120, 16)]
                e = v + r[ci]
                e = jnp.where(e >= 0.0, e, 0.2 * e)
                w16 = jnp.exp(e)
                for h in range(_H):
                    ws = w16[8 + h]
                    z[ci, pl.ds(h * _F, 16)] = ws * z[ci, pl.ds(h * _F, 16)]
                cur = z[ci, pl.ds(120, 16)]
                z[ci, pl.ds(120, 16)] = jnp.where(iota16 < 8, cur, w16)

        pltpu.sync_copy(src_hbm.at[wid, 0], sv0)
        issue_gather(0, 0)
        issue_src(1, 1)

        @pl.loop(0, _NCH, step=2)
        def _pair(g):
            wait_src(1, g + 1)
            issue_gather(1, g + 1)
            wait_gather(0, g)

            @pl.when(g + 2 < _NCH)
            def _s0():
                issue_src(0, g + 2)

            compute(0)
            issue_scatter(0, g)
            wait_gather(1, g + 1)

            @pl.when(g + 3 < _NCH)
            def _s1():
                issue_src(1, g + 3)

            compute(1)
            issue_scatter(1, g + 1)
            wait_scatter(0, g)

            @pl.when(g + 2 < _NCH)
            def _g0():
                wait_src(0, g + 2)
                issue_gather(0, g + 2)

            wait_scatter(1, g + 1)

        plsc.subcore_barrier()
        pltpu.sync_copy(acc.at[pl.ds(sid * _RPS, _RPS)],
                        out_hbm.at[cid, pl.ds(sid * _RPS, _RPS)])

        @pl.when(sid == _NS - 1)
        def _out_tail():
            pltpu.sync_copy(acc.at[pl.ds(_NS * _RPS, _RTAIL)],
                            out_hbm.at[cid, pl.ds(_NS * _RPS, _RTAIL)])

    return k(src3, dst3, zext, rtab, zeros)


_C2 = 80
_NCH2 = _EPT // _C2


def _sc_edge_pass2(src3, dst3, tab):
    mesh = plsc.VectorSubcoreMesh(core_axis_name="c", subcore_axis_name="s")
    zeros = jnp.zeros((_N, _D2), jnp.float32)

    @functools.partial(
        pl.kernel,
        mesh=mesh,
        out_type=jax.ShapeDtypeStruct((_NC, _N, _D2), jnp.float32),
        compiler_params=pltpu.CompilerParams(use_tc_tiling_on_sc=False,
                                             needs_layout_passes=False),
        scratch_types=[
            pltpu.VMEM_SHARED((_N, _D2), jnp.float32),
            pltpu.VMEM((_N, 8), jnp.float32),
            pltpu.VMEM((_NCH2, _C2), jnp.int32),
            pltpu.VMEM((_NCH2, _C2), jnp.int32),
            pltpu.VMEM((_C2, _D2), jnp.float32),
            pltpu.VMEM((_C2, _D2), jnp.float32),
            pltpu.SemaphoreType.DMA,
            pltpu.SemaphoreType.DMA,
        ],
    )
    def k(src_hbm, dst_hbm, tab_hbm, zero_hbm, out_hbm,
          acc, tabv, srcv, dstv, zv0, zv1, ss0, ss1):
        cid = lax.axis_index("c")
        sid = lax.axis_index("s")
        wid = cid * _NS + sid
        zv = (zv0, zv1)
        ss = (ss0, ss1)

        pltpu.sync_copy(zero_hbm.at[pl.ds(sid * _RPS, _RPS)],
                        acc.at[pl.ds(sid * _RPS, _RPS)])

        @pl.when(sid == _NS - 1)
        def _zero_tail():
            pltpu.sync_copy(zero_hbm.at[pl.ds(_NS * _RPS, _RTAIL)],
                            acc.at[pl.ds(_NS * _RPS, _RTAIL)])

        pltpu.sync_copy(tab_hbm, tabv)
        pltpu.sync_copy(src_hbm.at[wid], srcv)
        pltpu.sync_copy(dst_hbm.at[wid], dstv)
        plsc.subcore_barrier()

        iota16 = lax.iota(jnp.int32, 16)

        def compute(b, g):
            z = zv[b]

            @plsc.parallel_loop(0, _C2 // 16, unroll=5)
            def _grp(j):
                sv = srcv[g, pl.ds(j * 16, 16)]
                dv = dstv[g, pl.ds(j * 16, 16)]
                el = plsc.load_gather(tabv, [sv, jnp.full((16,), 0, jnp.int32)])
                er = plsc.load_gather(tabv, [dv, jnp.full((16,), 1, jnp.int32)])
                e = el + er
                e = jnp.where(e >= 0.0, e, 0.2 * e)
                w = jnp.exp(e)
                rows = j * 16 + iota16
                for c in range(3):
                    zc = plsc.load_gather(
                        tabv, [sv, jnp.full((16,), 2 + c, jnp.int32)])
                    plsc.store_scatter(
                        z, [rows, jnp.full((16,), c, jnp.int32)], w * zc)
                plsc.store_scatter(
                    z, [rows, jnp.full((16,), 3, jnp.int32)], w)

        def issue_scatter(b, g):
            pltpu.async_copy(zv[b], acc.at[dstv.at[g]], ss[b], add=True)

        def wait_scatter(b, g):
            pltpu.make_async_copy(zv[b], acc.at[dstv.at[g]], ss[b]).wait()

        @pl.loop(0, _NCH2 - 1, step=2)
        def _pair(g):
            compute(0, g)
            issue_scatter(0, g)
            compute(1, g + 1)
            issue_scatter(1, g + 1)
            wait_scatter(0, g)
            wait_scatter(1, g + 1)

        compute(0, _NCH2 - 1)
        issue_scatter(0, _NCH2 - 1)
        wait_scatter(0, _NCH2 - 1)

        plsc.subcore_barrier()
        pltpu.sync_copy(acc.at[pl.ds(sid * _RPS, _RPS)],
                        out_hbm.at[cid, pl.ds(sid * _RPS, _RPS)])

        @pl.when(sid == _NS - 1)
        def _out_tail():
            pltpu.sync_copy(acc.at[pl.ds(_NS * _RPS, _RTAIL)],
                            out_hbm.at[cid, pl.ds(_NS * _RPS, _RTAIL)])

    return k(src3, dst3, tab, zeros)


def _tc2_body(accp_ref, b1_ref, w2_ref, va_ref, vb_ref, expand_ref, tab_ref):
    acc = accp_ref[0] + accp_ref[1]
    s = acc[:, _H * _F:_H * _F + _H]
    sx = jnp.dot(s, expand_ref[...], preferred_element_type=jnp.float32)
    h = acc[:, 0:_H * _F] / (sx + 1e-9) + b1_ref[...]
    h = jnp.where(h > 0.0, h, jnp.exp(h) - 1.0)
    z2 = jnp.dot(h, w2_ref[...], preferred_element_type=jnp.float32)
    el2 = jnp.dot(h, va_ref[...], preferred_element_type=jnp.float32)
    er2 = jnp.dot(h, vb_ref[...], preferred_element_type=jnp.float32)
    n = h.shape[0]
    tab_ref[...] = jnp.concatenate(
        [el2, er2, z2, jnp.zeros((n, 3), jnp.float32)], axis=1)


def _tc2(accp, b1, W2, va, vb, EXPAND):
    return pl.pallas_call(
        _tc2_body,
        out_shape=jax.ShapeDtypeStruct((_N, 8), jnp.float32),
    )(accp, b1, W2, va, vb, EXPAND)


def _tc3_body(accp_ref, b2_ref, out_ref):
    acc = accp_ref[0] + accp_ref[1]
    sb = jnp.dot(acc[:, 3:4], jnp.ones((1, 16), jnp.float32),
                 preferred_element_type=jnp.float32)
    out_ref[...] = acc[:, 0:3] / (sb[:, 0:3] + 1e-9) + b2_ref[...]


def _tc3(accp, b2):
    return pl.pallas_call(
        _tc3_body,
        out_shape=jax.ShapeDtypeStruct((_N, 3), jnp.float32),
    )(accp, b2)


def kernel(features, edge_index, W1, attn_l1, attn_r1, b1,
           W2, attn_l2, attn_r2, b2):
    src3 = edge_index[0].reshape(_NTILES, _NCH, _CHUNK)
    dst3 = edge_index[1].reshape(_NTILES, _NCH, _CHUNK)
    eye8 = jnp.eye(_H, dtype=jnp.float32)
    AL = (attn_l1[:, :, None] * eye8[:, None, :]).reshape(_H * _F, _H)
    AR = (attn_r1[:, :, None] * eye8[:, None, :]).reshape(_H * _F, _H)
    EXPAND = jnp.kron(eye8, jnp.ones((1, _F), jnp.float32))
    va = (W2 @ attn_l2[0]).reshape(_H * _F, 1)
    vb = (W2 @ attn_r2[0]).reshape(_H * _F, 1)

    zext1, R1 = _tc1(features, W1, AL, AR)
    acc1 = _sc_edge_pass1(src3, dst3, zext1, R1)
    src3b = edge_index[0].reshape(_NTILES, _NCH2, _C2)
    dst3b = edge_index[1].reshape(_NTILES, _NCH2, _C2)
    tab2 = _tc2(acc1, b1.reshape(1, _H * _F), W2, va, vb, EXPAND)
    acc2 = _sc_edge_pass2(src3b, dst3b, tab2)
    out = _tc3(acc2, b2.reshape(1, 3))
    return out.reshape(_N, 1, 3)

# --- scband reference (transcript-rebuilt; emitter-appended) ---
"""Pipeline reference for scband-pub-med-gat-56796647522839 (READ-ONLY COPY).

The authoritative reference and input builder live on the scoring server;
editing this copy changes nothing except your own understanding.
"""

import jax, jax.numpy as jnp
import numpy as np

N_NODES = 10000
N_EDGES = 320000
IN_DIM = 128
HID = 16
HEADS = 8
OUT_DIM = 3


def _gat_layer(x, src, dst, W, attn_l, attn_r, bias, H, F, num_nodes):
    # DGL-style GATConv: fc -> per-head attention logits -> edge softmax by dst -> aggregate
    z = (x @ W).reshape(num_nodes, H, F)            # [N, H, F]
    el = jnp.sum(z * attn_l[None, :, :], axis=-1)   # [N, H]
    er = jnp.sum(z * attn_r[None, :, :], axis=-1)   # [N, H]
    e = el[src] + er[dst]                           # [E, H]
    e = jax.nn.leaky_relu(e, negative_slope=0.2)
    m = jax.ops.segment_max(e, dst, num_segments=num_nodes)
    m = jnp.where(jnp.isfinite(m), m, 0.0)
    ex = jnp.exp(e - m[dst])                        # [E, H]
    s = jax.ops.segment_sum(ex, dst, num_segments=num_nodes)
    alpha = ex / (s[dst] + 1e-9)                    # [E, H]
    msg = alpha[:, :, None] * z[src]                # [E, H, F]
    out = jax.ops.segment_sum(msg, dst, num_segments=num_nodes)
    return out + bias.reshape(1, H, F)


def setup_inputs(seed: int = 0) -> dict:
    key = jax.random.key(seed)
    ks = jax.random.split(key, 12)
    features = jax.random.normal(ks[0], (N_NODES, IN_DIM), dtype=jnp.float32)
    edge_index = jax.random.randint(ks[1], (2, N_EDGES), 0, N_NODES, dtype=jnp.int64 if jax.config.jax_enable_x64 else jnp.int32).astype(jnp.int32)
    sc1 = 1.0 / np.sqrt(IN_DIM)
    sc2 = 1.0 / np.sqrt(HID * HEADS)
    W1 = jax.random.normal(ks[2], (IN_DIM, HEADS * HID), dtype=jnp.float32) * sc1
    attn_l1 = jax.random.normal(ks[3], (HEADS, HID), dtype=jnp.float32) * sc1
    attn_r1 = jax.random.normal(ks[4], (HEADS, HID), dtype=jnp.float32) * sc1
    b1 = jnp.zeros((HEADS * HID,), dtype=jnp.float32)
    W2 = jax.random.normal(ks[5], (HEADS * HID, 1 * OUT_DIM), dtype=jnp.float32) * sc2
    attn_l2 = jax.random.normal(ks[6], (1, OUT_DIM), dtype=jnp.float32) * sc2
    attn_r2 = jax.random.normal(ks[7], (1, OUT_DIM), dtype=jnp.float32) * sc2
    b2 = jnp.zeros((OUT_DIM,), dtype=jnp.float32)
    return {"features": features, "edge_index": edge_index,
            "W1": W1, "attn_l1": attn_l1, "attn_r1": attn_r1, "b1": b1,
            "W2": W2, "attn_l2": attn_l2, "attn_r2": attn_r2, "b2": b2}


def reference(features, edge_index, W1, attn_l1, attn_r1, b1, W2, attn_l2, attn_r2, b2):
    src = edge_index[0]
    dst = edge_index[1]
    h = _gat_layer(features, src, dst, W1, attn_l1, attn_r1, b1, HEADS, HID, N_NODES)  # [N, H, F]
    h = h.reshape(N_NODES, HEADS * HID)
    h = jax.nn.elu(h)
    out = _gat_layer(h, src, dst, W2, attn_l2, attn_r2, b2, 1, OUT_DIM, N_NODES)       # [N, 1, out_dim]
    return out

if __name__ == "__main__":
    import jax
    _d = setup_inputs()
    print(jax.jit(kernel)(*tuple(_d.values())))

</pallas_src>

<mosaic_0001>
#map = affine_map<(d0, d1) -> (0, 0, 0)>
#map1 = affine_map<(d0, d1) -> (0, 0)>
module attributes {stable_mosaic.version = 14 : i64} {
  func.func @k(%arg0: i32, %arg1: i32, %arg2: memref<32x125x80xi32, #tpu.memory_space<hbm>>, %arg3: memref<32x125x80xi32, #tpu.memory_space<hbm>>, %arg4: memref<10000x8xf32, #tpu.memory_space<hbm>>, %arg5: memref<10000x16xf32, #tpu.memory_space<hbm>>, %arg6: memref<2x10000x16xf32, #tpu.memory_space<hbm>>, %arg7: memref<10000x16xf32, #tpu.memory_space<vmem_shared>>, %arg8: memref<10000x8xf32, #tpu.memory_space<vmem>>, %arg9: memref<125x80xi32, #tpu.memory_space<vmem>>, %arg10: memref<125x80xi32, #tpu.memory_space<vmem>>, %arg11: memref<80x16xf32, #tpu.memory_space<vmem>>, %arg12: memref<80x16xf32, #tpu.memory_space<vmem>>, %arg13: memref<!tpu.dma_semaphore, #tpu.memory_space<semaphore_mem>>, %arg14: memref<!tpu.dma_semaphore, #tpu.memory_space<semaphore_mem>>) attributes {dimension_semantics = [#tpu.dimension_semantics<core_parallel>, #tpu.dimension_semantics<subcore_parallel>], iteration_bounds = array<i64: 2, 16>, scalar_prefetch = 0 : i64, scratch_operands = 8 : i64, tpu.core_type = #tpu.core_type<sc_vector_subcore>, window_params = [{transform_indices = #map}, {transform_indices = #map}, {transform_indices = #map1}, {transform_indices = #map1}, {transform_indices = #map}]} {
    %mul3A = arith.constant 16 : i32
    %mul3A_0 = arith.muli %arg0, %mul3A : i32
    %add3A = arith.addi %mul3A_0, %arg1 : i32
    %mul3A_1 = arith.constant 624 : i32
    %mul3A_2 = arith.muli %arg1, %mul3A_1 : i32
    %mul3A_3 = arith.constant 624 : i32
    %mul3A_4 = arith.muli %arg1, %mul3A_3 : i32
    "tpu.region"() ({
      %run_scoped3A = tpu.sem_alloc : memref<!tpu.dma_semaphore, #tpu.memory_space<semaphore_mem>>
      %dma_start3A_35 = arith.constant 0 : i32
      %dma_start3A_36 = tpu.memref_slice %arg7[%mul3A_4, %dma_start3A_35] : memref<10000x16xf32, #tpu.memory_space<vmem_shared>> -> memref<624x16xf32, #tpu.memory_space<vmem_shared>>
      %dma_start3A_37 = arith.constant 0 : i32
      %dma_start3A_38 = tpu.memref_slice %arg5[%mul3A_2, %dma_start3A_37] : memref<10000x16xf32, #tpu.memory_space<hbm>> -> memref<624x16xf32, #tpu.memory_space<hbm>>
      tpu.enqueue_dma source(%dma_start3A_38 : memref<624x16xf32, #tpu.memory_space<hbm>>) target(%dma_start3A_36 : memref<624x16xf32, #tpu.memory_space<vmem_shared>>) target_semaphore(%run_scoped3A : memref<!tpu.dma_semaphore, #tpu.memory_space<semaphore_mem>>)
      %dma_wait3A_39 = arith.constant 0 : i32
      %dma_wait3A_40 = tpu.memref_slice %arg7[%mul3A_4, %dma_wait3A_39] : memref<10000x16xf32, #tpu.memory_space<vmem_shared>> -> memref<624x16xf32, #tpu.memory_space<vmem_shared>>
      %dma_wait3A_41 = arith.constant 0 : i32
      %dma_wait3A_42 = tpu.memref_slice %arg5[%mul3A_2, %dma_wait3A_41] : memref<10000x16xf32, #tpu.memory_space<hbm>> -> memref<624x16xf32, #tpu.memory_space<hbm>>
      tpu.wait_dma2 semaphore(%run_scoped3A : memref<!tpu.dma_semaphore, #tpu.memory_space<semaphore_mem>>) src(%dma_wait3A_42 : memref<624x16xf32, #tpu.memory_space<hbm>>) dst(%dma_wait3A_40 : memref<624x16xf32, #tpu.memory_space<vmem_shared>>)
      tpu.yield
    }) : () -> ()
    %eq3A = arith.constant 15 : i32
    %eq3A_5 = arith.cmpi eq, %arg1, %eq3A : i32
    %convert_element_type3A = arith.extui %eq3A_5 : i1 to i32
    %cond3A = arith.constant 0 : i32
    %cond3A_6 = arith.cmpi ne, %convert_element_type3A, %cond3A : i32
    scf.if %cond3A_6 {
      "tpu.region"() ({
        %run_scoped3A = tpu.sem_alloc : memref<!tpu.dma_semaphore, #tpu.memory_space<semaphore_mem>>
        %dma_start3A_35 = arith.constant 9984 : i32
        %dma_start3A_36 = arith.constant 0 : i32
        %dma_start3A_37 = tpu.memref_slice %arg7[%dma_start3A_35, %dma_start3A_36] : memref<10000x16xf32, #tpu.memory_space<vmem_shared>> -> memref<16x16xf32, #tpu.memory_space<vmem_shared>>
        %dma_start3A_38 = arith.constant 9984 : i32
        %dma_start3A_39 = arith.constant 0 : i32
        %dma_start3A_40 = tpu.memref_slice %arg5[%dma_start3A_38, %dma_start3A_39] : memref<10000x16xf32, #tpu.memory_space<hbm>> -> memref<16x16xf32, #tpu.memory_space<hbm>>
        tpu.enqueue_dma source(%dma_start3A_40 : memref<16x16xf32, #tpu.memory_space<hbm>>) target(%dma_start3A_37 : memref<16x16xf32, #tpu.memory_space<vmem_shared>>) target_semaphore(%run_scoped3A : memref<!tpu.dma_semaphore, #tpu.memory_space<semaphore_mem>>)
        %dma_wait3A_41 = arith.constant 9984 : i32
        %dma_wait3A_42 = arith.constant 0 : i32
        %dma_wait3A_43 = tpu.memref_slice %arg7[%dma_wait3A_41, %dma_wait3A_42] : memref<10000x16xf32, #tpu.memory_space<vmem_shared>> -> memref<16x16xf32, #tpu.memory_space<vmem_shared>>
        %dma_wait3A_44 = arith.constant 9984 : i32
        %dma_wait3A_45 = arith.constant 0 : i32
        %dma_wait3A_46 = tpu.memref_slice %arg5[%dma_wait3A_44, %dma_wait3A_45] : memref<10000x16xf32, #tpu.memory_space<hbm>> -> memref<16x16xf32, #tpu.memory_space<hbm>>
        tpu.wait_dma2 semaphore(%run_scoped3A : memref<!tpu.dma_semaphore, #tpu.memory_space<semaphore_mem>>) src(%dma_wait3A_46 : memref<16x16xf32, #tpu.memory_space<hbm>>) dst(%dma_wait3A_43 : memref<16x16xf32, #tpu.memory_space<vmem_shared>>)
        tpu.yield
      }) : () -> ()
    } else {
    }
    "tpu.region"() ({
      %run_scoped3A = tpu.sem_alloc : memref<!tpu.dma_semaphore, #tpu.memory_space<semaphore_mem>>
      tpu.enqueue_dma source(%arg4 : memref<10000x8xf32, #tpu.memory_space<hbm>>) target(%arg8 : memref<10000x8xf32, #tpu.memory_space<vmem>>) target_semaphore(%run_scoped3A : memref<!tpu.dma_semaphore, #tpu.memory_space<semaphore_mem>>)
      tpu.wait_dma2 semaphore(%run_scoped3A : memref<!tpu.dma_semaphore, #tpu.memory_space<semaphore_mem>>) src(%arg4 : memref<10000x8xf32, #tpu.memory_space<hbm>>) dst(%arg8 : memref<10000x8xf32, #tpu.memory_space<vmem>>)
      tpu.yield
    }) : () -> ()
    "tpu.region"() ({
      %run_scoped3A = tpu.sem_alloc : memref<!tpu.dma_semaphore, #tpu.memory_space<semaphore_mem>>
      %dma_start3A_35 = arith.constant 0 : i32
      %dma_start3A_36 = arith.constant 0 : i32
      %dma_start3A_37 = tpu.memref_slice %arg2[%add3A, %dma_start3A_35, %dma_start3A_36] : memref<32x125x80xi32, #tpu.memory_space<hbm>> -> memref<1x125x80xi32, #tpu.memory_space<hbm>>
      %dma_start3A_38 = tpu.memref_squeeze %dma_start3A_37 : memref<1x125x80xi32, #tpu.memory_space<hbm>> -> memref<125x80xi32, #tpu.memory_space<hbm>>
      %dma_start3A_39 = arith.constant 0 : i32
      %dma_start3A_40 = arith.constant 0 : i32
      %dma_start3A_41 = tpu.memref_slice %arg2[%add3A, %dma_start3A_39, %dma_start3A_40] : memref<32x125x80xi32, #tpu.memory_space<hbm>> -> memref<1x125x80xi32, #tpu.memory_space<hbm>>
      %dma_start3A_42 = tpu.memref_squeeze %dma_start3A_41 : memref<1x125x80xi32, #tpu.memory_space<hbm>> -> memref<125x80xi32, #tpu.memory_space<hbm>>
      tpu.enqueue_dma source(%dma_start3A_42 : memref<125x80xi32, #tpu.memory_space<hbm>>) target(%arg9 : memref<125x80xi32, #tpu.memory_space<vmem>>) target_semaphore(%run_scoped3A : memref<!tpu.dma_semaphore, #tpu.memory_space<semaphore_mem>>)
      %dma_wait3A_43 = arith.constant 0 : i32
      %dma_wait3A_44 = arith.constant 0 : i32
      %dma_wait3A_45 = tpu.memref_slice %arg2[%add3A, %dma_wait3A_43, %dma_wait3A_44] : memref<32x125x80xi32, #tpu.memory_space<hbm>> -> memref<1x125x80xi32, #tpu.memory_space<hbm>>
      %dma_wait3A_46 = tpu.memref_squeeze %dma_wait3A_45 : memref<1x125x80xi32, #tpu.memory_space<hbm>> -> memref<125x80xi32, #tpu.memory_space<hbm>>
      %dma_wait3A_47 = arith.constant 0 : i32
      %dma_wait3A_48 = arith.constant 0 : i32
      %dma_wait3A_49 = tpu.memref_slice %arg2[%add3A, %dma_wait3A_47, %dma_wait3A_48] : memref<32x125x80xi32, #tpu.memory_space<hbm>> -> memref<1x125x80xi32, #tpu.memory_space<hbm>>
      %dma_wait3A_50 = tpu.memref_squeeze %dma_wait3A_49 : memref<1x125x80xi32, #tpu.memory_space<hbm>> -> memref<125x80xi32, #tpu.memory_space<hbm>>
      tpu.wait_dma2 semaphore(%run_scoped3A : memref<!tpu.dma_semaphore, #tpu.memory_space<semaphore_mem>>) src(%dma_wait3A_50 : memref<125x80xi32, #tpu.memory_space<hbm>>) dst(%arg9 : memref<125x80xi32, #tpu.memory_space<vmem>>)
      tpu.yield
    }) : () -> ()
    "tpu.region"() ({
      %run_scoped3A = tpu.sem_alloc : memref<!tpu.dma_semaphore, #tpu.memory_space<semaphore_mem>>
      %dma_start3A_35 = arith.constant 0 : i32
      %dma_start3A_36 = arith.constant 0 : i32
      %dma_start3A_37 = tpu.memref_slice %arg3[%add3A, %dma_start3A_35, %dma_start3A_36] : memref<32x125x80xi32, #tpu.memory_space<hbm>> -> memref<1x125x80xi32, #tpu.memory_space<hbm>>
      %dma_start3A_38 = tpu.memref_squeeze %dma_start3A_37 : memref<1x125x80xi32, #tpu.memory_space<hbm>> -> memref<125x80xi32, #tpu.memory_space<hbm>>
      %dma_start3A_39 = arith.constant 0 : i32
      %dma_start3A_40 = arith.constant 0 : i32
      %dma_start3A_41 = tpu.memref_slice %arg3[%add3A, %dma_start3A_39, %dma_start3A_40] : memref<32x125x80xi32, #tpu.memory_space<hbm>> -> memref<1x125x80xi32, #tpu.memory_space<hbm>>
      %dma_start3A_42 = tpu.memref_squeeze %dma_start3A_41 : memref<1x125x80xi32, #tpu.memory_space<hbm>> -> memref<125x80xi32, #tpu.memory_space<hbm>>
      tpu.enqueue_dma source(%dma_start3A_42 : memref<125x80xi32, #tpu.memory_space<hbm>>) target(%arg10 : memref<125x80xi32, #tpu.memory_space<vmem>>) target_semaphore(%run_scoped3A : memref<!tpu.dma_semaphore, #tpu.memory_space<semaphore_mem>>)
      %dma_wait3A_43 = arith.constant 0 : i32
      %dma_wait3A_44 = arith.constant 0 : i32
      %dma_wait3A_45 = tpu.memref_slice %arg3[%add3A, %dma_wait3A_43, %dma_wait3A_44] : memref<32x125x80xi32, #tpu.memory_space<hbm>> -> memref<1x125x80xi32, #tpu.memory_space<hbm>>
      %dma_wait3A_46 = tpu.memref_squeeze %dma_wait3A_45 : memref<1x125x80xi32, #tpu.memory_space<hbm>> -> memref<125x80xi32, #tpu.memory_space<hbm>>
      %dma_wait3A_47 = arith.constant 0 : i32
      %dma_wait3A_48 = arith.constant 0 : i32
      %dma_wait3A_49 = tpu.memref_slice %arg3[%add3A, %dma_wait3A_47, %dma_wait3A_48] : memref<32x125x80xi32, #tpu.memory_space<hbm>> -> memref<1x125x80xi32, #tpu.memory_space<hbm>>
      %dma_wait3A_50 = tpu.memref_squeeze %dma_wait3A_49 : memref<1x125x80xi32, #tpu.memory_space<hbm>> -> memref<125x80xi32, #tpu.memory_space<hbm>>
      tpu.wait_dma2 semaphore(%run_scoped3A : memref<!tpu.dma_semaphore, #tpu.memory_space<semaphore_mem>>) src(%dma_wait3A_50 : memref<125x80xi32, #tpu.memory_space<hbm>>) dst(%arg10 : memref<125x80xi32, #tpu.memory_space<vmem>>)
      tpu.yield
    }) : () -> ()
    %barrier3A = arith.constant 0 : index
    tpu.barrier barrier_id(%barrier3A)
    %iota3A = tpu.iota {dimensions = array<i32: 0>} : vector<16xi32>
    %scan3A = arith.constant 0 : i32
    %scan3A_7 = arith.constant 62 : i32
    %scan3A_8 = arith.addi %scan3A, %scan3A_7 : i32
    %scan3A_9 = arith.constant 1 : i32
    scf.for %scan3A_35 = %scan3A to %scan3A_8 step %scan3A_9  : i32 {
      %mul3A_36 = arith.constant 2 : i32
      %mul3A_37 = arith.muli %scan3A_35, %mul3A_36 : i32
      %add3A_38 = arith.constant 0 : i32
      %add3A_39 = arith.addi %add3A_38, %mul3A_37 : i32
      %parallel_loop3A_40 = arith.constant 0 : i32
      %parallel_loop3A_41 = arith.constant 5 : i32
      %parallel_loop3A_42 = arith.constant 1 : i32
      scf.for %parallel_loop3A_76 = %parallel_loop3A_40 to %parallel_loop3A_41 step %parallel_loop3A_42  : i32 {
        %parallel_loop3A_77 = arith.constant 16 : i32
        %parallel_loop3A_78 = arith.muli %parallel_loop3A_76, %parallel_loop3A_77 : i32
        %parallel_loop3A_79 = arith.index_cast %add3A_39 : i32 to index
        %parallel_loop3A_80 = arith.index_cast %parallel_loop3A_78 : i32 to index
        %parallel_loop3A_81 = tpu.vector_load %arg9[%parallel_loop3A_79, %parallel_loop3A_80] {strides = array<i32>} : memref<125x80xi32, #tpu.memory_space<vmem>>, vector<16xi32>,
        %parallel_loop3A_82 = arith.constant 16 : i32
        %parallel_loop3A_83 = arith.muli %parallel_loop3A_76, %parallel_loop3A_82 : i32
        %parallel_loop3A_84 = arith.index_cast %add3A_39 : i32 to index
        %parallel_loop3A_85 = arith.index_cast %parallel_loop3A_83 : i32 to index
        %parallel_loop3A_86 = tpu.vector_load %arg10[%parallel_loop3A_84, %parallel_loop3A_85] {strides = array<i32>} : memref<125x80xi32, #tpu.memory_space<vmem>>, vector<16xi32>,
        %parallel_loop3A_87 = arith.constant 0 : i32
        %parallel_loop3A_88 = vector.broadcast %parallel_loop3A_87 : i32 to vector<16xi32>
        %parallel_loop3A_89 = tpu.vector_load_idx %arg8[%parallel_loop3A_81, %parallel_loop3A_88] : memref<10000x8xf32, #tpu.memory_space<vmem>>[vector<16xi32>, vector<16xi32>], vector<16xf32>,
        %parallel_loop3A_90 = arith.constant 1 : i32
        %parallel_loop3A_91 = vector.broadcast %parallel_loop3A_90 : i32 to vector<16xi32>
        %parallel_loop3A_92 = tpu.vector_load_idx %arg8[%parallel_loop3A_86, %parallel_loop3A_91] : memref<10000x8xf32, #tpu.memory_space<vmem>>[vector<16xi32>, vector<16xi32>], vector<16xf32>,
        %parallel_loop3A_93 = arith.addf %parallel_loop3A_89, %parallel_loop3A_92 : vector<16xf32>
        %parallel_loop3A_94 = arith.constant 0.000000e+00 : f32
        %parallel_loop3A_95 = vector.broadcast %parallel_loop3A_94 : f32 to vector<16xf32>
        %parallel_loop3A_96 = arith.cmpf oge, %parallel_loop3A_93, %parallel_loop3A_95 : vector<16xf32>
        %parallel_loop3A_97 = arith.constant 2.000000e-01 : f32
        %parallel_loop3A_98 = vector.broadcast %parallel_loop3A_97 : f32 to vector<16xf32>
        %parallel_loop3A_99 = arith.mulf %parallel_loop3A_98, %parallel_loop3A_93 : vector<16xf32>
        %parallel_loop3A_100 = arith.select %parallel_loop3A_96, %parallel_loop3A_93, %parallel_loop3A_99 : vector<16xi1>, vector<16xf32>
        %parallel_loop3A_101 = math.exp %parallel_loop3A_100 : vector<16xf32>
        %parallel_loop3A_102 = arith.constant 16 : i32
        %parallel_loop3A_103 = arith.muli %parallel_loop3A_76, %parallel_loop3A_102 : i32
        %parallel_loop3A_104 = vector.broadcast %parallel_loop3A_103 : i32 to vector<16xi32>
        %parallel_loop3A_105 = arith.addi %parallel_loop3A_104, %iota3A : vector<16xi32>
        %parallel_loop3A_106 = arith.constant 2 : i32
        %parallel_loop3A_107 = vector.broadcast %parallel_loop3A_106 : i32 to vector<16xi32>
        %parallel_loop3A_108 = tpu.vector_load_idx %arg8[%parallel_loop3A_81, %parallel_loop3A_107] : memref<10000x8xf32, #tpu.memory_space<vmem>>[vector<16xi32>, vector<16xi32>], vector<16xf32>,
        %parallel_loop3A_109 = arith.constant 0 : i32
        %parallel_loop3A_110 = vector.broadcast %parallel_loop3A_109 : i32 to vector<16xi32>
        %parallel_loop3A_111 = arith.mulf %parallel_loop3A_101, %parallel_loop3A_108 : vector<16xf32>
        tpu.vector_store_idx %arg11[%parallel_loop3A_105, %parallel_loop3A_110], %parallel_loop3A_111 : memref<80x16xf32, #tpu.memory_space<vmem>>[vector<16xi32>, vector<16xi32>], vector<16xf32>,
        %parallel_loop3A_112 = arith.constant 3 : i32
        %parallel_loop3A_113 = vector.broadcast %parallel_loop3A_112 : i32 to vector<16xi32>
        %parallel_loop3A_114 = tpu.vector_load_idx %arg8[%parallel_loop3A_81, %parallel_loop3A_113] : memref<10000x8xf32, #tpu.memory_space<vmem>>[vector<16xi32>, vector<16xi32>], vector<16xf32>,
        %parallel_loop3A_115 = arith.constant 1 : i32
        %parallel_loop3A_116 = vector.broadcast %parallel_loop3A_115 : i32 to vector<16xi32>
        %parallel_loop3A_117 = arith.mulf %parallel_loop3A_101, %parallel_loop3A_114 : vector<16xf32>
        tpu.vector_store_idx %arg11[%parallel_loop3A_105, %parallel_loop3A_116], %parallel_loop3A_117 : memref<80x16xf32, #tpu.memory_space<vmem>>[vector<16xi32>, vector<16xi32>], vector<16xf32>,
        %parallel_loop3A_118 = arith.constant 4 : i32
        %parallel_loop3A_119 = vector.broadcast %parallel_loop3A_118 : i32 to vector<16xi32>
        %parallel_loop3A_120 = tpu.vector_load_idx %arg8[%parallel_loop3A_81, %parallel_loop3A_119] : memref<10000x8xf32, #tpu.memory_space<vmem>>[vector<16xi32>, vector<16xi32>], vector<16xf32>,
        %parallel_loop3A_121 = arith.constant 2 : i32
        %parallel_loop3A_122 = vector.broadcast %parallel_loop3A_121 : i32 to vector<16xi32>
        %parallel_loop3A_123 = arith.mulf %parallel_loop3A_101, %parallel_loop3A_120 : vector<16xf32>
        tpu.vector_store_idx %arg11[%parallel_loop3A_105, %parallel_loop3A_122], %parallel_loop3A_123 : memref<80x16xf32, #tpu.memory_space<vmem>>[vector<16xi32>, vector<16xi32>], vector<16xf32>,
        %parallel_loop3A_124 = arith.constant 3 : i32
        %parallel_loop3A_125 = vector.broadcast %parallel_loop3A_124 : i32 to vector<16xi32>
        tpu.vector_store_idx %arg11[%parallel_loop3A_105, %parallel_loop3A_125], %parallel_loop3A_101 : memref<80x16xf32, #tpu.memory_space<vmem>>[vector<16xi32>, vector<16xi32>], vector<16xf32>,
      } {sc.loop_unroll_factor = 5 : i64, sc.parallel_access}
      %dma_start3A_43 = arith.constant 0 : i32
      %dma_start3A_44 = tpu.memref_slice %arg10[%add3A_39, %dma_start3A_43] : memref<125x80xi32, #tpu.memory_space<vmem>> -> memref<1x80xi32, #tpu.memory_space<vmem>>
      %dma_start3A_45 = tpu.memref_squeeze %dma_start3A_44 : memref<1x80xi32, #tpu.memory_space<vmem>> -> memref<80xi32, #tpu.memory_space<vmem>>
      %dma_start3A_46 = arith.constant 0 : i32
      %dma_start3A_47 = arith.constant 0 : i32
      %dma_start3A_48 = tpu.memref_slice %arg7[%dma_start3A_46, %dma_start3A_47] : memref<10000x16xf32, #tpu.memory_space<vmem_shared>> -> memref<10000x16xf32, #tpu.memory_space<vmem_shared>>
      tpu.enqueue_indirect_dma source(%arg11 : memref<80x16xf32, #tpu.memory_space<vmem>>) target(%dma_start3A_48 : memref<10000x16xf32, #tpu.memory_space<vmem_shared>>) offsets(%dma_start3A_45 : memref<80xi32, #tpu.memory_space<vmem>>) semaphore(%arg13 : memref<!tpu.dma_semaphore, #tpu.memory_space<semaphore_mem>>) {add = true}
      %add3A_49 = arith.constant 1 : i32
      %add3A_50 = arith.addi %add3A_39, %add3A_49 : i32
      %parallel_loop3A_51 = arith.constant 0 : i32
      %parallel_loop3A_52 = arith.constant 5 : i32
      %parallel_loop3A_53 = arith.constant 1 : i32
      scf.for %parallel_loop3A_76 = %parallel_loop3A_51 to %parallel_loop3A_52 step %parallel_loop3A_53  : i32 {
        %parallel_loop3A_77 = arith.constant 16 : i32
        %parallel_loop3A_78 = arith.muli %parallel_loop3A_76, %parallel_loop3A_77 : i32
        %parallel_loop3A_79 = arith.index_cast %add3A_50 : i32 to index
        %parallel_loop3A_80 = arith.index_cast %parallel_loop3A_78 : i32 to index
        %parallel_loop3A_81 = tpu.vector_load %arg9[%parallel_loop3A_79, %parallel_loop3A_80] {strides = array<i32>} : memref<125x80xi32, #tpu.memory_space<vmem>>, vector<16xi32>,
        %parallel_loop3A_82 = arith.constant 16 : i32
        %parallel_loop3A_83 = arith.muli %parallel_loop3A_76, %parallel_loop3A_82 : i32
        %parallel_loop3A_84 = arith.index_cast %add3A_50 : i32 to index
        %parallel_loop3A_85 = arith.index_cast %parallel_loop3A_83 : i32 to index
        %parallel_loop3A_86 = tpu.vector_load %arg10[%parallel_loop3A_84, %parallel_loop3A_85] {strides = array<i32>} : memref<125x80xi32, #tpu.memory_space<vmem>>, vector<16xi32>,
        %parallel_loop3A_87 = arith.constant 0 : i32
        %parallel_loop3A_88 = vector.broadcast %parallel_loop3A_87 : i32 to vector<16xi32>
        %parallel_loop3A_89 = tpu.vector_load_idx %arg8[%parallel_loop3A_81, %parallel_loop3A_88] : memref<10000x8xf32, #tpu.memory_space<vmem>>[vector<16xi32>, vector<16xi32>], vector<16xf32>,
        %parallel_loop3A_90 = arith.constant 1 : i32
        %parallel_loop3A_91 = vector.broadcast %parallel_loop3A_90 : i32 to vector<16xi32>
        %parallel_loop3A_92 = tpu.vector_load_idx %arg8[%parallel_loop3A_86, %parallel_loop3A_91] : memref<10000x8xf32, #tpu.memory_space<vmem>>[vector<16xi32>, vector<16xi32>], vector<16xf32>,
        %parallel_loop3A_93 = arith.addf %parallel_loop3A_89, %parallel_loop3A_92 : vector<16xf32>
        %parallel_loop3A_94 = arith.constant 0.000000e+00 : f32
        %parallel_loop3A_95 = vector.broadcast %parallel_loop3A_94 : f32 to vector<16xf32>
        %parallel_loop3A_96 = arith.cmpf oge, %parallel_loop3A_93, %parallel_loop3A_95 : vector<16xf32>
        %parallel_loop3A_97 = arith.constant 2.000000e-01 : f32
        %parallel_loop3A_98 = vector.broadcast %parallel_loop3A_97 : f32 to vector<16xf32>
        %parallel_loop3A_99 = arith.mulf %parallel_loop3A_98, %parallel_loop3A_93 : vector<16xf32>
        %parallel_loop3A_100 = arith.select %parallel_loop3A_96, %parallel_loop3A_93, %parallel_loop3A_99 : vector<16xi1>, vector<16xf32>
        %parallel_loop3A_101 = math.exp %parallel_loop3A_100 : vector<16xf32>
        %parallel_loop3A_102 = arith.constant 16 : i32
        %parallel_loop3A_103 = arith.muli %parallel_loop3A_76, %parallel_loop3A_102 : i32
        %parallel_loop3A_104 = vector.broadcast %parallel_loop3A_103 : i32 to vector<16xi32>
        %parallel_loop3A_105 = arith.addi %parallel_loop3A_104, %iota3A : vector<16xi32>
        %parallel_loop3A_106 = arith.constant 2 : i32
        %parallel_loop3A_107 = vector.broadcast %parallel_loop3A_106 : i32 to vector<16xi32>
        %parallel_loop3A_108 = tpu.vector_load_idx %arg8[%parallel_loop3A_81, %parallel_loop3A_107] : memref<10000x8xf32, #tpu.memory_space<vmem>>[vector<16xi32>, vector<16xi32>], vector<16xf32>,
        %parallel_loop3A_109 = arith.constant 0 : i32
        %parallel_loop3A_110 = vector.broadcast %parallel_loop3A_109 : i32 to vector<16xi32>
        %parallel_loop3A_111 = arith.mulf %parallel_loop3A_101, %parallel_loop3A_108 : vector<16xf32>
        tpu.vector_store_idx %arg12[%parallel_loop3A_105, %parallel_loop3A_110], %parallel_loop3A_111 : memref<80x16xf32, #tpu.memory_space<vmem>>[vector<16xi32>, vector<16xi32>], vector<16xf32>,
        %parallel_loop3A_112 = arith.constant 3 : i32
        %parallel_loop3A_113 = vector.broadcast %parallel_loop3A_112 : i32 to vector<16xi32>
        %parallel_loop3A_114 = tpu.vector_load_idx %arg8[%parallel_loop3A_81, %parallel_loop3A_113] : memref<10000x8xf32, #tpu.memory_space<vmem>>[vector<16xi32>, vector<16xi32>], vector<16xf32>,
        %parallel_loop3A_115 = arith.constant 1 : i32
        %parallel_loop3A_116 = vector.broadcast %parallel_loop3A_115 : i32 to vector<16xi32>
        %parallel_loop3A_117 = arith.mulf %parallel_loop3A_101, %parallel_loop3A_114 : vector<16xf32>
        tpu.vector_store_idx %arg12[%parallel_loop3A_105, %parallel_loop3A_116], %parallel_loop3A_117 : memref<80x16xf32, #tpu.memory_space<vmem>>[vector<16xi32>, vector<16xi32>], vector<16xf32>,
        %parallel_loop3A_118 = arith.constant 4 : i32
        %parallel_loop3A_119 = vector.broadcast %parallel_loop3A_118 : i32 to vector<16xi32>
        %parallel_loop3A_120 = tpu.vector_load_idx %arg8[%parallel_loop3A_81, %parallel_loop3A_119] : memref<10000x8xf32, #tpu.memory_space<vmem>>[vector<16xi32>, vector<16xi32>], vector<16xf32>,
        %parallel_loop3A_121 = arith.constant 2 : i32
        %parallel_loop3A_122 = vector.broadcast %parallel_loop3A_121 : i32 to vector<16xi32>
        %parallel_loop3A_123 = arith.mulf %parallel_loop3A_101, %parallel_loop3A_120 : vector<16xf32>
        tpu.vector_store_idx %arg12[%parallel_loop3A_105, %parallel_loop3A_122], %parallel_loop3A_123 : memref<80x16xf32, #tpu.memory_space<vmem>>[vector<16xi32>, vector<16xi32>], vector<16xf32>,
        %parallel_loop3A_124 = arith.constant 3 : i32
        %parallel_loop3A_125 = vector.broadcast %parallel_loop3A_124 : i32 to vector<16xi32>
        tpu.vector_store_idx %arg12[%parallel_loop3A_105, %parallel_loop3A_125], %parallel_loop3A_101 : memref<80x16xf32, #tpu.memory_space<vmem>>[vector<16xi32>, vector<16xi32>], vector<16xf32>,
      } {sc.loop_unroll_factor = 5 : i64, sc.parallel_access}
      %add3A_54 = arith.constant 1 : i32
      %add3A_55 = arith.addi %add3A_39, %add3A_54 : i32
      %dma_start3A_56 = arith.constant 0 : i32
      %dma_start3A_57 = tpu.memref_slice %arg10[%add3A_55, %dma_start3A_56] : memref<125x80xi32, #tpu.memory_space<vmem>> -> memref<1x80xi32, #tpu.memory_space<vmem>>
      %dma_start3A_58 = tpu.memref_squeeze %dma_start3A_57 : memref<1x80xi32, #tpu.memory_space<vmem>> -> memref<80xi32, #tpu.memory_space<vmem>>
      %dma_start3A_59 = arith.constant 0 : i32
      %dma_start3A_60 = arith.constant 0 : i32
      %dma_start3A_61 = tpu.memref_slice %arg7[%dma_start3A_59, %dma_start3A_60] : memref<10000x16xf32, #tpu.memory_space<vmem_shared>> -> memref<10000x16xf32, #tpu.memory_space<vmem_shared>>
      tpu.enqueue_indirect_dma source(%arg12 : memref<80x16xf32, #tpu.memory_space<vmem>>) target(%dma_start3A_61 : memref<10000x16xf32, #tpu.memory_space<vmem_shared>>) offsets(%dma_start3A_58 : memref<80xi32, #tpu.memory_space<vmem>>) semaphore(%arg14 : memref<!tpu.dma_semaphore, #tpu.memory_space<semaphore_mem>>) {add = true}
      %dma_wait3A_62 = arith.constant 0 : i32
      %dma_wait3A_63 = tpu.memref_slice %arg10[%add3A_39, %dma_wait3A_62] : memref<125x80xi32, #tpu.memory_space<vmem>> -> memref<1x80xi32, #tpu.memory_space<vmem>>
      %dma_wait3A_64 = tpu.memref_squeeze %dma_wait3A_63 : memref<1x80xi32, #tpu.memory_space<vmem>> -> memref<80xi32, #tpu.memory_space<vmem>>
      %dma_wait3A_65 = arith.constant 0 : i32
      %dma_wait3A_66 = arith.constant 0 : i32
      %dma_wait3A_67 = tpu.memref_slice %arg7[%dma_wait3A_65, %dma_wait3A_66] : memref<10000x16xf32, #tpu.memory_space<vmem_shared>> -> memref<10000x16xf32, #tpu.memory_space<vmem_shared>>
      tpu.wait_indirect_dma semaphore(%arg13 : memref<!tpu.dma_semaphore, #tpu.memory_space<semaphore_mem>>) src(%arg11 : memref<80x16xf32, #tpu.memory_space<vmem>>) dst(%dma_wait3A_67 : memref<10000x16xf32, #tpu.memory_space<vmem_shared>>)
      %add3A_68 = arith.constant 1 : i32
      %add3A_69 = arith.addi %add3A_39, %add3A_68 : i32
      %dma_wait3A_70 = arith.constant 0 : i32
      %dma_wait3A_71 = tpu.memref_slice %arg10[%add3A_69, %dma_wait3A_70] : memref<125x80xi32, #tpu.memory_space<vmem>> -> memref<1x80xi32, #tpu.memory_space<vmem>>
      %dma_wait3A_72 = tpu.memref_squeeze %dma_wait3A_71 : memref<1x80xi32, #tpu.memory_space<vmem>> -> memref<80xi32, #tpu.memory_space<vmem>>
      %dma_wait3A_73 = arith.constant 0 : i32
      %dma_wait3A_74 = arith.constant 0 : i32
      %dma_wait3A_75 = tpu.memref_slice %arg7[%dma_wait3A_73, %dma_wait3A_74] : memref<10000x16xf32, #tpu.memory_space<vmem_shared>> -> memref<10000x16xf32, #tpu.memory_space<vmem_shared>>
      tpu.wait_indirect_dma semaphore(%arg14 : memref<!tpu.dma_semaphore, #tpu.memory_space<semaphore_mem>>) src(%arg12 : memref<80x16xf32, #tpu.memory_space<vmem>>) dst(%dma_wait3A_75 : memref<10000x16xf32, #tpu.memory_space<vmem_shared>>)
    }
    %scan3A_10 = arith.constant 62 : i32
    %parallel_loop3A = arith.constant 0 : i32
    %parallel_loop3A_11 = arith.constant 5 : i32
    %parallel_loop3A_12 = arith.constant 1 : i32
    scf.for %parallel_loop3A_35 = %parallel_loop3A to %parallel_loop3A_11 step %parallel_loop3A_12  : i32 {
      %parallel_loop3A_36 = arith.constant 16 : i32
      %parallel_loop3A_37 = arith.muli %parallel_loop3A_35, %parallel_loop3A_36 : i32
      %parallel_loop3A_38 = arith.constant 124 : i32
      %parallel_loop3A_39 = arith.index_cast %parallel_loop3A_38 : i32 to index
      %parallel_loop3A_40 = arith.index_cast %parallel_loop3A_37 : i32 to index
      %parallel_loop3A_41 = tpu.vector_load %arg9[%parallel_loop3A_39, %parallel_loop3A_40] {strides = array<i32>} : memref<125x80xi32, #tpu.memory_space<vmem>>, vector<16xi32>,
      %parallel_loop3A_42 = arith.constant 16 : i32
      %parallel_loop3A_43 = arith.muli %parallel_loop3A_35, %parallel_loop3A_42 : i32
      %parallel_loop3A_44 = arith.constant 124 : i32
      %parallel_loop3A_45 = arith.index_cast %parallel_loop3A_44 : i32 to index
      %parallel_loop3A_46 = arith.index_cast %parallel_loop3A_43 : i32 to index
      %parallel_loop3A_47 = tpu.vector_load %arg10[%parallel_loop3A_45, %parallel_loop3A_46] {strides = array<i32>} : memref<125x80xi32, #tpu.memory_space<vmem>>, vector<16xi32>,
      %parallel_loop3A_48 = arith.constant 0 : i32
      %parallel_loop3A_49 = vector.broadcast %parallel_loop3A_48 : i32 to vector<16xi32>
      %parallel_loop3A_50 = tpu.vector_load_idx %arg8[%parallel_loop3A_41, %parallel_loop3A_49] : memref<10000x8xf32, #tpu.memory_space<vmem>>[vector<16xi32>, vector<16xi32>], vector<16xf32>,
      %parallel_loop3A_51 = arith.constant 1 : i32
      %parallel_loop3A_52 = vector.broadcast %parallel_loop3A_51 : i32 to vector<16xi32>
      %parallel_loop3A_53 = tpu.vector_load_idx %arg8[%parallel_loop3A_47, %parallel_loop3A_52] : memref<10000x8xf32, #tpu.memory_space<vmem>>[vector<16xi32>, vector<16xi32>], vector<16xf32>,
      %parallel_loop3A_54 = arith.addf %parallel_loop3A_50, %parallel_loop3A_53 : vector<16xf32>
      %parallel_loop3A_55 = arith.constant 0.000000e+00 : f32
      %parallel_loop3A_56 = vector.broadcast %parallel_loop3A_55 : f32 to vector<16xf32>
      %parallel_loop3A_57 = arith.cmpf oge, %parallel_loop3A_54, %parallel_loop3A_56 : vector<16xf32>
      %parallel_loop3A_58 = arith.constant 2.000000e-01 : f32
      %parallel_loop3A_59 = vector.broadcast %parallel_loop3A_58 : f32 to vector<16xf32>
      %parallel_loop3A_60 = arith.mulf %parallel_loop3A_59, %parallel_loop3A_54 : vector<16xf32>
      %parallel_loop3A_61 = arith.select %parallel_loop3A_57, %parallel_loop3A_54, %parallel_loop3A_60 : vector<16xi1>, vector<16xf32>
      %parallel_loop3A_62 = math.exp %parallel_loop3A_61 : vector<16xf32>
      %parallel_loop3A_63 = arith.constant 16 : i32
      %parallel_loop3A_64 = arith.muli %parallel_loop3A_35, %parallel_loop3A_63 : i32
      %parallel_loop3A_65 = vector.broadcast %parallel_loop3A_64 : i32 to vector<16xi32>
      %parallel_loop3A_66 = arith.addi %parallel_loop3A_65, %iota3A : vector<16xi32>
      %parallel_loop3A_67 = arith.constant 2 : i32
      %parallel_loop3A_68 = vector.broadcast %parallel_loop3A_67 : i32 to vector<16xi32>
      %parallel_loop3A_69 = tpu.vector_load_idx %arg8[%parallel_loop3A_41, %parallel_loop3A_68] : memref<10000x8xf32, #tpu.memory_space<vmem>>[vector<16xi32>, vector<16xi32>], vector<16xf32>,
      %parallel_loop3A_70 = arith.constant 0 : i32
      %parallel_loop3A_71 = vector.broadcast %parallel_loop3A_70 : i32 to vector<16xi32>
      %parallel_loop3A_72 = arith.mulf %parallel_loop3A_62, %parallel_loop3A_69 : vector<16xf32>
      tpu.vector_store_idx %arg11[%parallel_loop3A_66, %parallel_loop3A_71], %parallel_loop3A_72 : memref<80x16xf32, #tpu.memory_space<vmem>>[vector<16xi32>, vector<16xi32>], vector<16xf32>,
      %parallel_loop3A_73 = arith.constant 3 : i32
      %parallel_loop3A_74 = vector.broadcast %parallel_loop3A_73 : i32 to vector<16xi32>
      %parallel_loop3A_75 = tpu.vector_load_idx %arg8[%parallel_loop3A_41, %parallel_loop3A_74] : memref<10000x8xf32, #tpu.memory_space<vmem>>[vector<16xi32>, vector<16xi32>], vector<16xf32>,
      %parallel_loop3A_76 = arith.constant 1 : i32
      %parallel_loop3A_77 = vector.broadcast %parallel_loop3A_76 : i32 to vector<16xi32>
      %parallel_loop3A_78 = arith.mulf %parallel_loop3A_62, %parallel_loop3A_75 : vector<16xf32>
      tpu.vector_store_idx %arg11[%parallel_loop3A_66, %parallel_loop3A_77], %parallel_loop3A_78 : memref<80x16xf32, #tpu.memory_space<vmem>>[vector<16xi32>, vector<16xi32>], vector<16xf32>,
      %parallel_loop3A_79 = arith.constant 4 : i32
      %parallel_loop3A_80 = vector.broadcast %parallel_loop3A_79 : i32 to vector<16xi32>
      %parallel_loop3A_81 = tpu.vector_load_idx %arg8[%parallel_loop3A_41, %parallel_loop3A_80] : memref<10000x8xf32, #tpu.memory_space<vmem>>[vector<16xi32>, vector<16xi32>], vector<16xf32>,
      %parallel_loop3A_82 = arith.constant 2 : i32
      %parallel_loop3A_83 = vector.broadcast %parallel_loop3A_82 : i32 to vector<16xi32>
      %parallel_loop3A_84 = arith.mulf %parallel_loop3A_62, %parallel_loop3A_81 : vector<16xf32>
      tpu.vector_store_idx %arg11[%parallel_loop3A_66, %parallel_loop3A_83], %parallel_loop3A_84 : memref<80x16xf32, #tpu.memory_space<vmem>>[vector<16xi32>, vector<16xi32>], vector<16xf32>,
      %parallel_loop3A_85 = arith.constant 3 : i32
      %parallel_loop3A_86 = vector.broadcast %parallel_loop3A_85 : i32 to vector<16xi32>
      tpu.vector_store_idx %arg11[%parallel_loop3A_66, %parallel_loop3A_86], %parallel_loop3A_62 : memref<80x16xf32, #tpu.memory_space<vmem>>[vector<16xi32>, vector<16xi32>], vector<16xf32>,
    } {sc.loop_unroll_factor = 5 : i64, sc.parallel_access}
    %dma_start3A = arith.constant 124 : i32
    %dma_start3A_13 = arith.constant 0 : i32
    %dma_start3A_14 = tpu.memref_slice %arg10[%dma_start3A, %dma_start3A_13] : memref<125x80xi32, #tpu.memory_space<vmem>> -> memref<1x80xi32, #tpu.memory_space<vmem>>
    %dma_start3A_15 = tpu.memref_squeeze %dma_start3A_14 : memref<1x80xi32, #tpu.memory_space<vmem>> -> memref<80xi32, #tpu.memory_space<vmem>>
    %dma_start3A_16 = arith.constant 0 : i32
    %dma_start3A_17 = arith.constant 0 : i32
    %dma_start3A_18 = tpu.memref_slice %arg7[%dma_start3A_16, %dma_start3A_17] : memref<10000x16xf32, #tpu.memory_space<vmem_shared>> -> memref<10000x16xf32, #tpu.memory_space<vmem_shared>>
    tpu.enqueue_indirect_dma source(%arg11 : memref<80x16xf32, #tpu.memory_space<vmem>>) target(%dma_start3A_18 : memref<10000x16xf32, #tpu.memory_space<vmem_shared>>) offsets(%dma_start3A_15 : memref<80xi32, #tpu.memory_space<vmem>>) semaphore(%arg13 : memref<!tpu.dma_semaphore, #tpu.memory_space<semaphore_mem>>) {add = true}
    %dma_wait3A = arith.constant 124 : i32
    %dma_wait3A_19 = arith.constant 0 : i32
    %dma_wait3A_20 = tpu.memref_slice %arg10[%dma_wait3A, %dma_wait3A_19] : memref<125x80xi32, #tpu.memory_space<vmem>> -> memref<1x80xi32, #tpu.memory_space<vmem>>
    %dma_wait3A_21 = tpu.memref_squeeze %dma_wait3A_20 : memref<1x80xi32, #tpu.memory_space<vmem>> -> memref<80xi32, #tpu.memory_space<vmem>>
    %dma_wait3A_22 = arith.constant 0 : i32
    %dma_wait3A_23 = arith.constant 0 : i32
    %dma_wait3A_24 = tpu.memref_slice %arg7[%dma_wait3A_22, %dma_wait3A_23] : memref<10000x16xf32, #tpu.memory_space<vmem_shared>> -> memref<10000x16xf32, #tpu.memory_space<vmem_shared>>
    tpu.wait_indirect_dma semaphore(%arg13 : memref<!tpu.dma_semaphore, #tpu.memory_space<semaphore_mem>>) src(%arg11 : memref<80x16xf32, #tpu.memory_space<vmem>>) dst(%dma_wait3A_24 : memref<10000x16xf32, #tpu.memory_space<vmem_shared>>)
    %barrier3A_25 = arith.constant 0 : index
    tpu.barrier barrier_id(%barrier3A_25)
    %mul3A_26 = arith.constant 624 : i32
    %mul3A_27 = arith.muli %arg1, %mul3A_26 : i32
    %mul3A_28 = arith.constant 624 : i32
    %mul3A_29 = arith.muli %arg1, %mul3A_28 : i32
    "tpu.region"() ({
      %run_scoped3A = tpu.sem_alloc : memref<!tpu.dma_semaphore, #tpu.memory_space<semaphore_mem>>
      %dma_start3A_35 = arith.constant 0 : i32
      %dma_start3A_36 = tpu.memref_slice %arg6[%arg0, %mul3A_29, %dma_start3A_35] : memref<2x10000x16xf32, #tpu.memory_space<hbm>> -> memref<1x624x16xf32, #tpu.memory_space<hbm>>
      %dma_start3A_37 = tpu.memref_squeeze %dma_start3A_36 : memref<1x624x16xf32, #tpu.memory_space<hbm>> -> memref<624x16xf32, #tpu.memory_space<hbm>>
      %dma_start3A_38 = arith.constant 0 : i32
      %dma_start3A_39 = tpu.memref_slice %arg7[%mul3A_27, %dma_start3A_38] : memref<10000x16xf32, #tpu.memory_space<vmem_shared>> -> memref<624x16xf32, #tpu.memory_space<vmem_shared>>
      tpu.enqueue_dma source(%dma_start3A_39 : memref<624x16xf32, #tpu.memory_space<vmem_shared>>) target(%dma_start3A_37 : memref<624x16xf32, #tpu.memory_space<hbm>>) target_semaphore(%run_scoped3A : memref<!tpu.dma_semaphore, #tpu.memory_space<semaphore_mem>>)
      %dma_wait3A_40 = arith.constant 0 : i32
      %dma_wait3A_41 = tpu.memref_slice %arg6[%arg0, %mul3A_29, %dma_wait3A_40] : memref<2x10000x16xf32, #tpu.memory_space<hbm>> -> memref<1x624x16xf32, #tpu.memory_space<hbm>>
      %dma_wait3A_42 = tpu.memref_squeeze %dma_wait3A_41 : memref<1x624x16xf32, #tpu.memory_space<hbm>> -> memref<624x16xf32, #tpu.memory_space<hbm>>
      %dma_wait3A_43 = arith.constant 0 : i32
      %dma_wait3A_44 = tpu.memref_slice %arg7[%mul3A_27, %dma_wait3A_43] : memref<10000x16xf32, #tpu.memory_space<vmem_shared>> -> memref<624x16xf32, #tpu.memory_space<vmem_shared>>
      tpu.wait_dma2 semaphore(%run_scoped3A : memref<!tpu.dma_semaphore, #tpu.memory_space<semaphore_mem>>) src(%dma_wait3A_44 : memref<624x16xf32, #tpu.memory_space<vmem_shared>>) dst(%dma_wait3A_42 : memref<624x16xf32, #tpu.memory_space<hbm>>)
      tpu.yield
    }) : () -> ()
    %eq3A_30 = arith.constant 15 : i32
    %eq3A_31 = arith.cmpi eq, %arg1, %eq3A_30 : i32
    %convert_element_type3A_32 = arith.extui %eq3A_31 : i1 to i32
    %cond3A_33 = arith.constant 0 : i32
    %cond3A_34 = arith.cmpi ne, %convert_element_type3A_32, %cond3A_33 : i32
    scf.if %cond3A_34 {
      "tpu.region"() ({
        %run_scoped3A = tpu.sem_alloc : memref<!tpu.dma_semaphore, #tpu.memory_space<semaphore_mem>>
        %dma_start3A_35 = arith.constant 9984 : i32
        %dma_start3A_36 = arith.constant 0 : i32
        %dma_start3A_37 = tpu.memref_slice %arg6[%arg0, %dma_start3A_35, %dma_start3A_36] : memref<2x10000x16xf32, #tpu.memory_space<hbm>> -> memref<1x16x16xf32, #tpu.memory_space<hbm>>
        %dma_start3A_38 = tpu.memref_squeeze %dma_start3A_37 : memref<1x16x16xf32, #tpu.memory_space<hbm>> -> memref<16x16xf32, #tpu.memory_space<hbm>>
        %dma_start3A_39 = arith.constant 9984 : i32
        %dma_start3A_40 = arith.constant 0 : i32
        %dma_start3A_41 = tpu.memref_slice %arg7[%dma_start3A_39, %dma_start3A_40] : memref<10000x16xf32, #tpu.memory_space<vmem_shared>> -> memref<16x16xf32, #tpu.memory_space<vmem_shared>>
        tpu.enqueue_dma source(%dma_start3A_41 : memref<16x16xf32, #tpu.memory_space<vmem_shared>>) target(%dma_start3A_38 : memref<16x16xf32, #tpu.memory_space<hbm>>) target_semaphore(%run_scoped3A : memref<!tpu.dma_semaphore, #tpu.memory_space<semaphore_mem>>)
        %dma_wait3A_42 = arith.constant 9984 : i32
        %dma_wait3A_43 = arith.constant 0 : i32
        %dma_wait3A_44 = tpu.memref_slice %arg6[%arg0, %dma_wait3A_42, %dma_wait3A_43] : memref<2x10000x16xf32, #tpu.memory_space<hbm>> -> memref<1x16x16xf32, #tpu.memory_space<hbm>>
        %dma_wait3A_45 = tpu.memref_squeeze %dma_wait3A_44 : memref<1x16x16xf32, #tpu.memory_space<hbm>> -> memref<16x16xf32, #tpu.memory_space<hbm>>
        %dma_wait3A_46 = arith.constant 9984 : i32
        %dma_wait3A_47 = arith.constant 0 : i32
        %dma_wait3A_48 = tpu.memref_slice %arg7[%dma_wait3A_46, %dma_wait3A_47] : memref<10000x16xf32, #tpu.memory_space<vmem_shared>> -> memref<16x16xf32, #tpu.memory_space<vmem_shared>>
        tpu.wait_dma2 semaphore(%run_scoped3A : memref<!tpu.dma_semaphore, #tpu.memory_space<semaphore_mem>>) src(%dma_wait3A_48 : memref<16x16xf32, #tpu.memory_space<vmem_shared>>) dst(%dma_wait3A_45 : memref<16x16xf32, #tpu.memory_space<hbm>>)
        tpu.yield
      }) : () -> ()
    } else {
    }
    return
  }
}

#map = affine_map<(d0, d1) -> (0, 0, 0)>
#map1 = affine_map<(d0, d1) -> (0, 0)>
module attributes {stable_mosaic.version = 14 : i64} {
  func.func @k(%arg0: i32, %arg1: i32, %arg2: memref<32x100x100xi32, #tpu.memory_space<hbm>>, %arg3: memref<32x100x100xi32, #tpu.memory_space<hbm>>, %arg4: memref<10000x136xf32, #tpu.memory_space<hbm>>, %arg5: memref<10000x16xf32, #tpu.memory_space<hbm>>, %arg6: memref<10000x136xf32, #tpu.memory_space<hbm>>, %arg7: memref<2x10000x136xf32, #tpu.memory_space<hbm>>, %arg8: memref<10000x136xf32, #tpu.memory_space<vmem_shared>>, %arg9: memref<100x100xi32, #tpu.memory_space<vmem>>, %arg10: memref<100xi32, #tpu.memory_space<vmem>>, %arg11: memref<100xi32, #tpu.memory_space<vmem>>, %arg12: memref<100x16xf32, #tpu.memory_space<vmem>>, %arg13: memref<100x16xf32, #tpu.memory_space<vmem>>, %arg14: memref<100x136xf32, #tpu.memory_space<vmem>>, %arg15: memref<100x136xf32, #tpu.memory_space<vmem>>, %arg16: memref<!tpu.dma_semaphore, #tpu.memory_space<semaphore_mem>>, %arg17: memref<!tpu.dma_semaphore, #tpu.memory_space<semaphore_mem>>, %arg18: memref<!tpu.dma_semaphore, #tpu.memory_space<semaphore_mem>>, %arg19: memref<!tpu.dma_semaphore, #tpu.memory_space<semaphore_mem>>, %arg20: memref<!tpu.dma_semaphore, #tpu.memory_space<semaphore_mem>>, %arg21: memref<!tpu.dma_semaphore, #tpu.memory_space<semaphore_mem>>) attributes {dimension_semantics = [#tpu.dimension_semantics<core_parallel>, #tpu.dimension_semantics<subcore_parallel>], iteration_bounds = array<i64: 2, 16>, scalar_prefetch = 0 : i64, scratch_operands = 14 : i64, tpu.core_type = #tpu.core_type<sc_vector_subcore>, window_params = [{transform_indices = #map}, {transform_indices = #map}, {transform_indices = #map1}, {transform_indices = #map1}, {transform_indices = #map1}, {transform_indices = #map}]} {
    %mul3A = arith.constant 16 : i32
    %mul3A_0 = arith.muli %arg0, %mul3A : i32
    %add3A = arith.addi %mul3A_0, %arg1 : i32
    %mul3A_1 = arith.constant 624 : i32
    %mul3A_2 = arith.muli %arg1, %mul3A_1 : i32
    %mul3A_3 = arith.constant 624 : i32
    %mul3A_4 = arith.muli %arg1, %mul3A_3 : i32
    "tpu.region"() ({
      %run_scoped3A_37 = tpu.sem_alloc : memref<!tpu.dma_semaphore, #tpu.memory_space<semaphore_mem>>
      %dma_start3A_38 = arith.constant 0 : i32
      %dma_start3A_39 = tpu.memref_slice %arg8[%mul3A_4, %dma_start3A_38] : memref<10000x136xf32, #tpu.memory_space<vmem_shared>> -> memref<624x136xf32, #tpu.memory_space<vmem_shared>>
      %dma_start3A_40 = arith.constant 0 : i32
      %dma_start3A_41 = tpu.memref_slice %arg6[%mul3A_2, %dma_start3A_40] : memref<10000x136xf32, #tpu.memory_space<hbm>> -> memref<624x136xf32, #tpu.memory_space<hbm>>
      tpu.enqueue_dma source(%dma_start3A_41 : memref<624x136xf32, #tpu.memory_space<hbm>>) target(%dma_start3A_39 : memref<624x136xf32, #tpu.memory_space<vmem_shared>>) target_semaphore(%run_scoped3A_37 : memref<!tpu.dma_semaphore, #tpu.memory_space<semaphore_mem>>)
      %dma_wait3A = arith.constant 0 : i32
      %dma_wait3A_42 = tpu.memref_slice %arg8[%mul3A_4, %dma_wait3A] : memref<10000x136xf32, #tpu.memory_space<vmem_shared>> -> memref<624x136xf32, #tpu.memory_space<vmem_shared>>
      %dma_wait3A_43 = arith.constant 0 : i32
      %dma_wait3A_44 = tpu.memref_slice %arg6[%mul3A_2, %dma_wait3A_43] : memref<10000x136xf32, #tpu.memory_space<hbm>> -> memref<624x136xf32, #tpu.memory_space<hbm>>
      tpu.wait_dma2 semaphore(%run_scoped3A_37 : memref<!tpu.dma_semaphore, #tpu.memory_space<semaphore_mem>>) src(%dma_wait3A_44 : memref<624x136xf32, #tpu.memory_space<hbm>>) dst(%dma_wait3A_42 : memref<624x136xf32, #tpu.memory_space<vmem_shared>>)
      tpu.yield
    }) : () -> ()
    %eq3A = arith.constant 15 : i32
    %eq3A_5 = arith.cmpi eq, %arg1, %eq3A : i32
    %convert_element_type3A = arith.extui %eq3A_5 : i1 to i32
    %cond3A = arith.constant 0 : i32
    %cond3A_6 = arith.cmpi ne, %convert_element_type3A, %cond3A : i32
    scf.if %cond3A_6 {
      "tpu.region"() ({
        %run_scoped3A_37 = tpu.sem_alloc : memref<!tpu.dma_semaphore, #tpu.memory_space<semaphore_mem>>
        %dma_start3A_38 = arith.constant 9984 : i32
        %dma_start3A_39 = arith.constant 0 : i32
        %dma_start3A_40 = tpu.memref_slice %arg8[%dma_start3A_38, %dma_start3A_39] : memref<10000x136xf32, #tpu.memory_space<vmem_shared>> -> memref<16x136xf32, #tpu.memory_space<vmem_shared>>
        %dma_start3A_41 = arith.constant 9984 : i32
        %dma_start3A_42 = arith.constant 0 : i32
        %dma_start3A_43 = tpu.memref_slice %arg6[%dma_start3A_41, %dma_start3A_42] : memref<10000x136xf32, #tpu.memory_space<hbm>> -> memref<16x136xf32, #tpu.memory_space<hbm>>
        tpu.enqueue_dma source(%dma_start3A_43 : memref<16x136xf32, #tpu.memory_space<hbm>>) target(%dma_start3A_40 : memref<16x136xf32, #tpu.memory_space<vmem_shared>>) target_semaphore(%run_scoped3A_37 : memref<!tpu.dma_semaphore, #tpu.memory_space<semaphore_mem>>)
        %dma_wait3A = arith.constant 9984 : i32
        %dma_wait3A_44 = arith.constant 0 : i32
        %dma_wait3A_45 = tpu.memref_slice %arg8[%dma_wait3A, %dma_wait3A_44] : memref<10000x136xf32, #tpu.memory_space<vmem_shared>> -> memref<16x136xf32, #tpu.memory_space<vmem_shared>>
        %dma_wait3A_46 = arith.constant 9984 : i32
        %dma_wait3A_47 = arith.constant 0 : i32
        %dma_wait3A_48 = tpu.memref_slice %arg6[%dma_wait3A_46, %dma_wait3A_47] : memref<10000x136xf32, #tpu.memory_space<hbm>> -> memref<16x136xf32, #tpu.memory_space<hbm>>
        tpu.wait_dma2 semaphore(%run_scoped3A_37 : memref<!tpu.dma_semaphore, #tpu.memory_space<semaphore_mem>>) src(%dma_wait3A_48 : memref<16x136xf32, #tpu.memory_space<hbm>>) dst(%dma_wait3A_45 : memref<16x136xf32, #tpu.memory_space<vmem_shared>>)
        tpu.yield
      }) : () -> ()
    } else {
    }
    "tpu.region"() ({
      %run_scoped3A_37 = tpu.sem_alloc : memref<!tpu.dma_semaphore, #tpu.memory_space<semaphore_mem>>
      %dma_start3A_38 = arith.constant 0 : i32
      %dma_start3A_39 = arith.constant 0 : i32
      %dma_start3A_40 = tpu.memref_slice %arg3[%add3A, %dma_start3A_38, %dma_start3A_39] : memref<32x100x100xi32, #tpu.memory_space<hbm>> -> memref<1x100x100xi32, #tpu.memory_space<hbm>>
      %dma_start3A_41 = tpu.memref_squeeze %dma_start3A_40 : memref<1x100x100xi32, #tpu.memory_space<hbm>> -> memref<100x100xi32, #tpu.memory_space<hbm>>
      %dma_start3A_42 = arith.constant 0 : i32
      %dma_start3A_43 = arith.constant 0 : i32
      %dma_start3A_44 = tpu.memref_slice %arg3[%add3A, %dma_start3A_42, %dma_start3A_43] : memref<32x100x100xi32, #tpu.memory_space<hbm>> -> memref<1x100x100xi32, #tpu.memory_space<hbm>>
      %dma_start3A_45 = tpu.memref_squeeze %dma_start3A_44 : memref<1x100x100xi32, #tpu.memory_space<hbm>> -> memref<100x100xi32, #tpu.memory_space<hbm>>
      tpu.enqueue_dma source(%dma_start3A_45 : memref<100x100xi32, #tpu.memory_space<hbm>>) target(%arg9 : memref<100x100xi32, #tpu.memory_space<vmem>>) target_semaphore(%run_scoped3A_37 : memref<!tpu.dma_semaphore, #tpu.memory_space<semaphore_mem>>)
      %dma_wait3A = arith.constant 0 : i32
      %dma_wait3A_46 = arith.constant 0 : i32
      %dma_wait3A_47 = tpu.memref_slice %arg3[%add3A, %dma_wait3A, %dma_wait3A_46] : memref<32x100x100xi32, #tpu.memory_space<hbm>> -> memref<1x100x100xi32, #tpu.memory_space<hbm>>
      %dma_wait3A_48 = tpu.memref_squeeze %dma_wait3A_47 : memref<1x100x100xi32, #tpu.memory_space<hbm>> -> memref<100x100xi32, #tpu.memory_space<hbm>>
      %dma_wait3A_49 = arith.constant 0 : i32
      %dma_wait3A_50 = arith.constant 0 : i32
      %dma_wait3A_51 = tpu.memref_slice %arg3[%add3A, %dma_wait3A_49, %dma_wait3A_50] : memref<32x100x100xi32, #tpu.memory_space<hbm>> -> memref<1x100x100xi32, #tpu.memory_space<hbm>>
      %dma_wait3A_52 = tpu.memref_squeeze %dma_wait3A_51 : memref<1x100x100xi32, #tpu.memory_space<hbm>> -> memref<100x100xi32, #tpu.memory_space<hbm>>
      tpu.wait_dma2 semaphore(%run_scoped3A_37 : memref<!tpu.dma_semaphore, #tpu.memory_space<semaphore_mem>>) src(%dma_wait3A_52 : memref<100x100xi32, #tpu.memory_space<hbm>>) dst(%arg9 : memref<100x100xi32, #tpu.memory_space<vmem>>)
      tpu.yield
    }) : () -> ()
    %barrier3A = arith.constant 0 : index
    tpu.barrier barrier_id(%barrier3A)
    %iota3A = tpu.iota {dimensions = array<i32: 0>} : vector<16xi32>
    %run_scoped3A = arith.constant 0 : i32
    "tpu.region"() ({
      %run_scoped3A_37 = tpu.sem_alloc : memref<!tpu.dma_semaphore, #tpu.memory_space<semaphore_mem>>
      %dma_start3A_38 = arith.constant 0 : i32
      %dma_start3A_39 = tpu.memref_slice %arg2[%add3A, %run_scoped3A, %dma_start3A_38] : memref<32x100x100xi32, #tpu.memory_space<hbm>> -> memref<1x1x100xi32, #tpu.memory_space<hbm>>
      %dma_start3A_40 = tpu.memref_squeeze %dma_start3A_39 : memref<1x1x100xi32, #tpu.memory_space<hbm>> -> memref<100xi32, #tpu.memory_space<hbm>>
      %dma_start3A_41 = arith.constant 0 : i32
      %dma_start3A_42 = tpu.memref_slice %arg2[%add3A, %run_scoped3A, %dma_start3A_41] : memref<32x100x100xi32, #tpu.memory_space<hbm>> -> memref<1x1x100xi32, #tpu.memory_space<hbm>>
      %dma_start3A_43 = tpu.memref_squeeze %dma_start3A_42 : memref<1x1x100xi32, #tpu.memory_space<hbm>> -> memref<100xi32, #tpu.memory_space<hbm>>
      tpu.enqueue_dma source(%dma_start3A_43 : memref<100xi32, #tpu.memory_space<hbm>>) target(%arg10 : memref<100xi32, #tpu.memory_space<vmem>>) target_semaphore(%run_scoped3A_37 : memref<!tpu.dma_semaphore, #tpu.memory_space<semaphore_mem>>)
      %dma_wait3A = arith.constant 0 : i32
      %dma_wait3A_44 = tpu.memref_slice %arg2[%add3A, %run_scoped3A, %dma_wait3A] : memref<32x100x100xi32, #tpu.memory_space<hbm>> -> memref<1x1x100xi32, #tpu.memory_space<hbm>>
      %dma_wait3A_45 = tpu.memref_squeeze %dma_wait3A_44 : memref<1x1x100xi32, #tpu.memory_space<hbm>> -> memref<100xi32, #tpu.memory_space<hbm>>
      %dma_wait3A_46 = arith.constant 0 : i32
      %dma_wait3A_47 = tpu.memref_slice %arg2[%add3A, %run_scoped3A, %dma_wait3A_46] : memref<32x100x100xi32, #tpu.memory_space<hbm>> -> memref<1x1x100xi32, #tpu.memory_space<hbm>>
      %dma_wait3A_48 = tpu.memref_squeeze %dma_wait3A_47 : memref<1x1x100xi32, #tpu.memory_space<hbm>> -> memref<100xi32, #tpu.memory_space<hbm>>
      tpu.wait_dma2 semaphore(%run_scoped3A_37 : memref<!tpu.dma_semaphore, #tpu.memory_space<semaphore_mem>>) src(%dma_wait3A_48 : memref<100xi32, #tpu.memory_space<hbm>>) dst(%arg10 : memref<100xi32, #tpu.memory_space<vmem>>)
      tpu.yield
    }) : () -> ()
    %dma_start3A = arith.constant 0 : i32
    %dma_start3A_7 = arith.constant 0 : i32
    %dma_start3A_8 = tpu.memref_slice %arg9[%dma_start3A, %dma_start3A_7] : memref<100x100xi32, #tpu.memory_space<vmem>> -> memref<1x100xi32, #tpu.memory_space<vmem>>
    %dma_start3A_9 = tpu.memref_squeeze %dma_start3A_8 : memref<1x100xi32, #tpu.memory_space<vmem>> -> memref<100xi32, #tpu.memory_space<vmem>>
    %dma_start3A_10 = arith.constant 0 : i32
    %dma_start3A_11 = arith.constant 0 : i32
    %dma_start3A_12 = tpu.memref_slice %arg5[%dma_start3A_10, %dma_start3A_11] : memref<10000x16xf32, #tpu.memory_space<hbm>> -> memref<10000x16xf32, #tpu.memory_space<hbm>>
    tpu.enqueue_indirect_dma source(%dma_start3A_12 : memref<10000x16xf32, #tpu.memory_space<hbm>>) target(%arg12 : memref<100x16xf32, #tpu.memory_space<vmem>>) offsets(%dma_start3A_9 : memref<100xi32, #tpu.memory_space<vmem>>) semaphore(%arg16 : memref<!tpu.dma_semaphore, #tpu.memory_space<semaphore_mem>>)
    %dma_start3A_13 = arith.constant 0 : i32
    %dma_start3A_14 = arith.constant 0 : i32
    %dma_start3A_15 = tpu.memref_slice %arg4[%dma_start3A_13, %dma_start3A_14] : memref<10000x136xf32, #tpu.memory_space<hbm>> -> memref<10000x136xf32, #tpu.memory_space<hbm>>
    tpu.enqueue_indirect_dma source(%dma_start3A_15 : memref<10000x136xf32, #tpu.memory_space<hbm>>) target(%arg14 : memref<100x136xf32, #tpu.memory_space<vmem>>) offsets(%arg10 : memref<100xi32, #tpu.memory_space<vmem>>) semaphore(%arg16 : memref<!tpu.dma_semaphore, #tpu.memory_space<semaphore_mem>>)
    %dma_start3A_16 = arith.constant 1 : i32
    %dma_start3A_17 = arith.constant 0 : i32
    %dma_start3A_18 = tpu.memref_slice %arg2[%add3A, %dma_start3A_16, %dma_start3A_17] : memref<32x100x100xi32, #tpu.memory_space<hbm>> -> memref<1x1x100xi32, #tpu.memory_space<hbm>>
    %dma_start3A_19 = tpu.memref_squeeze %dma_start3A_18 : memref<1x1x100xi32, #tpu.memory_space<hbm>> -> memref<100xi32, #tpu.memory_space<hbm>>
    %dma_start3A_20 = arith.constant 0 : i32
    %dma_start3A_21 = tpu.memref_slice %arg2[%add3A, %dma_start3A_16, %dma_start3A_20] : memref<32x100x100xi32, #tpu.memory_space<hbm>> -> memref<1x1x100xi32, #tpu.memory_space<hbm>>
    %dma_start3A_22 = tpu.memref_squeeze %dma_start3A_21 : memref<1x1x100xi32, #tpu.memory_space<hbm>> -> memref<100xi32, #tpu.memory_space<hbm>>
    tpu.enqueue_dma source(%dma_start3A_22 : memref<100xi32, #tpu.memory_space<hbm>>) target(%arg11 : memref<100xi32, #tpu.memory_space<vmem>>) target_semaphore(%arg21 : memref<!tpu.dma_semaphore, #tpu.memory_space<semaphore_mem>>)
    %scan3A = arith.constant 0 : i32
    %scan3A_23 = arith.constant 50 : i32
    %scan3A_24 = arith.addi %scan3A, %scan3A_23 : i32
    %scan3A_25 = arith.constant 1 : i32
    scf.for %scan3A_37 = %scan3A to %scan3A_24 step %scan3A_25  : i32 {
      %mul3A_38 = arith.constant 2 : i32
      %mul3A_39 = arith.muli %scan3A_37, %mul3A_38 : i32
      %add3A_40 = arith.constant 0 : i32
      %add3A_41 = arith.addi %add3A_40, %mul3A_39 : i32
      %add3A_42 = arith.constant 1 : i32
      %add3A_43 = arith.addi %add3A_41, %add3A_42 : i32
      %dma_wait3A = arith.constant 0 : i32
      %dma_wait3A_44 = tpu.memref_slice %arg2[%add3A, %add3A_43, %dma_wait3A] : memref<32x100x100xi32, #tpu.memory_space<hbm>> -> memref<1x1x100xi32, #tpu.memory_space<hbm>>
      %dma_wait3A_45 = tpu.memref_squeeze %dma_wait3A_44 : memref<1x1x100xi32, #tpu.memory_space<hbm>> -> memref<100xi32, #tpu.memory_space<hbm>>
      %dma_wait3A_46 = arith.constant 0 : i32
      %dma_wait3A_47 = tpu.memref_slice %arg2[%add3A, %add3A_43, %dma_wait3A_46] : memref<32x100x100xi32, #tpu.memory_space<hbm>> -> memref<1x1x100xi32, #tpu.memory_space<hbm>>
      %dma_wait3A_48 = tpu.memref_squeeze %dma_wait3A_47 : memref<1x1x100xi32, #tpu.memory_space<hbm>> -> memref<100xi32, #tpu.memory_space<hbm>>
      tpu.wait_dma2 semaphore(%arg21 : memref<!tpu.dma_semaphore, #tpu.memory_space<semaphore_mem>>) src(%dma_wait3A_48 : memref<100xi32, #tpu.memory_space<hbm>>) dst(%arg11 : memref<100xi32, #tpu.memory_space<vmem>>)
      %add3A_49 = arith.constant 1 : i32
      %add3A_50 = arith.addi %add3A_41, %add3A_49 : i32
      %dma_start3A_51 = arith.constant 0 : i32
      %dma_start3A_52 = tpu.memref_slice %arg9[%add3A_50, %dma_start3A_51] : memref<100x100xi32, #tpu.memory_space<vmem>> -> memref<1x100xi32, #tpu.memory_space<vmem>>
      %dma_start3A_53 = tpu.memref_squeeze %dma_start3A_52 : memref<1x100xi32, #tpu.memory_space<vmem>> -> memref<100xi32, #tpu.memory_space<vmem>>
      %dma_start3A_54 = arith.constant 0 : i32
      %dma_start3A_55 = arith.constant 0 : i32
      %dma_start3A_56 = tpu.memref_slice %arg5[%dma_start3A_54, %dma_start3A_55] : memref<10000x16xf32, #tpu.memory_space<hbm>> -> memref<10000x16xf32, #tpu.memory_space<hbm>>
      tpu.enqueue_indirect_dma source(%dma_start3A_56 : memref<10000x16xf32, #tpu.memory_space<hbm>>) target(%arg13 : memref<100x16xf32, #tpu.memory_space<vmem>>) offsets(%dma_start3A_53 : memref<100xi32, #tpu.memory_space<vmem>>) semaphore(%arg17 : memref<!tpu.dma_semaphore, #tpu.memory_space<semaphore_mem>>)
      %dma_start3A_57 = arith.constant 0 : i32
      %dma_start3A_58 = arith.constant 0 : i32
      %dma_start3A_59 = tpu.memref_slice %arg4[%dma_start3A_57, %dma_start3A_58] : memref<10000x136xf32, #tpu.memory_space<hbm>> -> memref<10000x136xf32, #tpu.memory_space<hbm>>
      tpu.enqueue_indirect_dma source(%dma_start3A_59 : memref<10000x136xf32, #tpu.memory_space<hbm>>) target(%arg15 : memref<100x136xf32, #tpu.memory_space<vmem>>) offsets(%arg11 : memref<100xi32, #tpu.memory_space<vmem>>) semaphore(%arg17 : memref<!tpu.dma_semaphore, #tpu.memory_space<semaphore_mem>>)
      %dma_wait3A_60 = arith.constant 0 : i32
      %dma_wait3A_61 = tpu.memref_slice %arg9[%add3A_41, %dma_wait3A_60] : memref<100x100xi32, #tpu.memory_space<vmem>> -> memref<1x100xi32, #tpu.memory_space<vmem>>
      %dma_wait3A_62 = tpu.memref_squeeze %dma_wait3A_61 : memref<1x100xi32, #tpu.memory_space<vmem>> -> memref<100xi32, #tpu.memory_space<vmem>>
      %dma_wait3A_63 = arith.constant 0 : i32
      %dma_wait3A_64 = arith.constant 0 : i32
      %dma_wait3A_65 = tpu.memref_slice %arg5[%dma_wait3A_63, %dma_wait3A_64] : memref<10000x16xf32, #tpu.memory_space<hbm>> -> memref<10000x16xf32, #tpu.memory_space<hbm>>
      tpu.wait_indirect_dma semaphore(%arg16 : memref<!tpu.dma_semaphore, #tpu.memory_space<semaphore_mem>>) src(%dma_wait3A_65 : memref<10000x16xf32, #tpu.memory_space<hbm>>) dst(%arg12 : memref<100x16xf32, #tpu.memory_space<vmem>>)
      %dma_wait3A_66 = arith.constant 0 : i32
      %dma_wait3A_67 = arith.constant 0 : i32
      %dma_wait3A_68 = tpu.memref_slice %arg4[%dma_wait3A_66, %dma_wait3A_67] : memref<10000x136xf32, #tpu.memory_space<hbm>> -> memref<10000x136xf32, #tpu.memory_space<hbm>>
      tpu.wait_indirect_dma semaphore(%arg16 : memref<!tpu.dma_semaphore, #tpu.memory_space<semaphore_mem>>) src(%dma_wait3A_68 : memref<10000x136xf32, #tpu.memory_space<hbm>>) dst(%arg14 : memref<100x136xf32, #tpu.memory_space<vmem>>)
      %add3A_69 = arith.constant 2 : i32
      %add3A_70 = arith.addi %add3A_41, %add3A_69 : i32
      %lt3A = arith.constant 100 : i32
      %lt3A_71 = arith.cmpi slt, %add3A_70, %lt3A : i32
      %convert_element_type3A_72 = arith.extui %lt3A_71 : i1 to i32
      %cond3A_73 = arith.constant 0 : i32
      %cond3A_74 = arith.cmpi ne, %convert_element_type3A_72, %cond3A_73 : i32
      scf.if %cond3A_74 {
        %add3A_133 = arith.constant 2 : i32
        %add3A_134 = arith.addi %add3A_41, %add3A_133 : i32
        %dma_start3A_135 = arith.constant 0 : i32
        %dma_start3A_136 = tpu.memref_slice %arg2[%add3A, %add3A_134, %dma_start3A_135] : memref<32x100x100xi32, #tpu.memory_space<hbm>> -> memref<1x1x100xi32, #tpu.memory_space<hbm>>
        %dma_start3A_137 = tpu.memref_squeeze %dma_start3A_136 : memref<1x1x100xi32, #tpu.memory_space<hbm>> -> memref<100xi32, #tpu.memory_space<hbm>>
        %dma_start3A_138 = arith.constant 0 : i32
        %dma_start3A_139 = tpu.memref_slice %arg2[%add3A, %add3A_134, %dma_start3A_138] : memref<32x100x100xi32, #tpu.memory_space<hbm>> -> memref<1x1x100xi32, #tpu.memory_space<hbm>>
        %dma_start3A_140 = tpu.memref_squeeze %dma_start3A_139 : memref<1x1x100xi32, #tpu.memory_space<hbm>> -> memref<100xi32, #tpu.memory_space<hbm>>
        tpu.enqueue_dma source(%dma_start3A_140 : memref<100xi32, #tpu.memory_space<hbm>>) target(%arg10 : memref<100xi32, #tpu.memory_space<vmem>>) target_semaphore(%arg20 : memref<!tpu.dma_semaphore, #tpu.memory_space<semaphore_mem>>)
      } else {
      }
      %parallel_loop3A = arith.constant 0 : i32
      %parallel_loop3A_75 = arith.constant 100 : i32
      %parallel_loop3A_76 = arith.constant 1 : i32
      scf.for %parallel_loop3A_133 = %parallel_loop3A to %parallel_loop3A_75 step %parallel_loop3A_76  : i32 {
        %parallel_loop3A_134 = arith.index_cast %parallel_loop3A_133 : i32 to index
        %parallel_loop3A_135 = arith.constant 120 : index
        %parallel_loop3A_136 = tpu.vector_load %arg14[%parallel_loop3A_134, %parallel_loop3A_135] {strides = array<i32>} : memref<100x136xf32, #tpu.memory_space<vmem>>, vector<16xf32>,
        %parallel_loop3A_137 = arith.index_cast %parallel_loop3A_133 : i32 to index
        %parallel_loop3A_138 = arith.constant 0 : index
        %parallel_loop3A_139 = tpu.vector_load %arg12[%parallel_loop3A_137, %parallel_loop3A_138] {strides = array<i32>} : memref<100x16xf32, #tpu.memory_space<vmem>>, vector<16xf32>,
        %parallel_loop3A_140 = arith.addf %parallel_loop3A_136, %parallel_loop3A_139 : vector<16xf32>
        %parallel_loop3A_141 = arith.constant 0.000000e+00 : f32
        %parallel_loop3A_142 = vector.broadcast %parallel_loop3A_141 : f32 to vector<16xf32>
        %parallel_loop3A_143 = arith.cmpf oge, %parallel_loop3A_140, %parallel_loop3A_142 : vector<16xf32>
        %parallel_loop3A_144 = arith.constant 2.000000e-01 : f32
        %parallel_loop3A_145 = vector.broadcast %parallel_loop3A_144 : f32 to vector<16xf32>
        %parallel_loop3A_146 = arith.mulf %parallel_loop3A_145, %parallel_loop3A_140 : vector<16xf32>
        %parallel_loop3A_147 = arith.select %parallel_loop3A_143, %parallel_loop3A_140, %parallel_loop3A_146 : vector<16xi1>, vector<16xf32>
        %parallel_loop3A_148 = math.exp %parallel_loop3A_147 : vector<16xf32>
        %parallel_loop3A_149 = vector.extract_strided_slice %parallel_loop3A_148 {offsets = [8], sizes = [1], strides = [1]} : vector<16xf32> to vector<1xf32>
        %parallel_loop3A_150 = vector.extract %parallel_loop3A_149[0] : f32 from vector<1xf32>
        %parallel_loop3A_151 = arith.index_cast %parallel_loop3A_133 : i32 to index
        %parallel_loop3A_152 = arith.constant 0 : index
        %parallel_loop3A_153 = tpu.vector_load %arg14[%parallel_loop3A_151, %parallel_loop3A_152] {strides = array<i32>} : memref<100x136xf32, #tpu.memory_space<vmem>>, vector<16xf32>,
        %parallel_loop3A_154 = vector.broadcast %parallel_loop3A_150 : f32 to vector<16xf32>
        %parallel_loop3A_155 = arith.mulf %parallel_loop3A_154, %parallel_loop3A_153 : vector<16xf32>
        %parallel_loop3A_156 = arith.index_cast %parallel_loop3A_133 : i32 to index
        %parallel_loop3A_157 = arith.constant 0 : index
        %parallel_loop3A_158 = tpu.vector_load %arg14[%parallel_loop3A_156, %parallel_loop3A_157] {strides = array<i32>} : memref<100x136xf32, #tpu.memory_space<vmem>>, vector<16xf32>,
        tpu.vector_store %arg14[%parallel_loop3A_156, %parallel_loop3A_157], %parallel_loop3A_155 {strides = array<i32>} : memref<100x136xf32, #tpu.memory_space<vmem>>, vector<16xf32>,
        %parallel_loop3A_159 = vector.extract_strided_slice %parallel_loop3A_148 {offsets = [9], sizes = [1], strides = [1]} : vector<16xf32> to vector<1xf32>
        %parallel_loop3A_160 = vector.extract %parallel_loop3A_159[0] : f32 from vector<1xf32>
        %parallel_loop3A_161 = arith.index_cast %parallel_loop3A_133 : i32 to index
        %parallel_loop3A_162 = arith.constant 16 : index
        %parallel_loop3A_163 = tpu.vector_load %arg14[%parallel_loop3A_161, %parallel_loop3A_162] {strides = array<i32>} : memref<100x136xf32, #tpu.memory_space<vmem>>, vector<16xf32>,
        %parallel_loop3A_164 = vector.broadcast %parallel_loop3A_160 : f32 to vector<16xf32>
        %parallel_loop3A_165 = arith.mulf %parallel_loop3A_164, %parallel_loop3A_163 : vector<16xf32>
        %parallel_loop3A_166 = arith.index_cast %parallel_loop3A_133 : i32 to index
        %parallel_loop3A_167 = arith.constant 16 : index
        %parallel_loop3A_168 = tpu.vector_load %arg14[%parallel_loop3A_166, %parallel_loop3A_167] {strides = array<i32>} : memref<100x136xf32, #tpu.memory_space<vmem>>, vector<16xf32>,
        tpu.vector_store %arg14[%parallel_loop3A_166, %parallel_loop3A_167], %parallel_loop3A_165 {strides = array<i32>} : memref<100x136xf32, #tpu.memory_space<vmem>>, vector<16xf32>,
        %parallel_loop3A_169 = vector.extract_strided_slice %parallel_loop3A_148 {offsets = [10], sizes = [1], strides = [1]} : vector<16xf32> to vector<1xf32>
        %parallel_loop3A_170 = vector.extract %parallel_loop3A_169[0] : f32 from vector<1xf32>
        %parallel_loop3A_171 = arith.index_cast %parallel_loop3A_133 : i32 to index
        %parallel_loop3A_172 = arith.constant 32 : index
        %parallel_loop3A_173 = tpu.vector_load %arg14[%parallel_loop3A_171, %parallel_loop3A_172] {strides = array<i32>} : memref<100x136xf32, #tpu.memory_space<vmem>>, vector<16xf32>,
        %parallel_loop3A_174 = vector.broadcast %parallel_loop3A_170 : f32 to vector<16xf32>
        %parallel_loop3A_175 = arith.mulf %parallel_loop3A_174, %parallel_loop3A_173 : vector<16xf32>
        %parallel_loop3A_176 = arith.index_cast %parallel_loop3A_133 : i32 to index
        %parallel_loop3A_177 = arith.constant 32 : index
        %parallel_loop3A_178 = tpu.vector_load %arg14[%parallel_loop3A_176, %parallel_loop3A_177] {strides = array<i32>} : memref<100x136xf32, #tpu.memory_space<vmem>>, vector<16xf32>,
        tpu.vector_store %arg14[%parallel_loop3A_176, %parallel_loop3A_177], %parallel_loop3A_175 {strides = array<i32>} : memref<100x136xf32, #tpu.memory_space<vmem>>, vector<16xf32>,
        %parallel_loop3A_179 = vector.extract_strided_slice %parallel_loop3A_148 {offsets = [11], sizes = [1], strides = [1]} : vector<16xf32> to vector<1xf32>
        %parallel_loop3A_180 = vector.extract %parallel_loop3A_179[0] : f32 from vector<1xf32>
        %parallel_loop3A_181 = arith.index_cast %parallel_loop3A_133 : i32 to index
        %parallel_loop3A_182 = arith.constant 48 : index
        %parallel_loop3A_183 = tpu.vector_load %arg14[%parallel_loop3A_181, %parallel_loop3A_182] {strides = array<i32>} : memref<100x136xf32, #tpu.memory_space<vmem>>, vector<16xf32>,
        %parallel_loop3A_184 = vector.broadcast %parallel_loop3A_180 : f32 to vector<16xf32>
        %parallel_loop3A_185 = arith.mulf %parallel_loop3A_184, %parallel_loop3A_183 : vector<16xf32>
        %parallel_loop3A_186 = arith.index_cast %parallel_loop3A_133 : i32 to index
        %parallel_loop3A_187 = arith.constant 48 : index
        %parallel_loop3A_188 = tpu.vector_load %arg14[%parallel_loop3A_186, %parallel_loop3A_187] {strides = array<i32>} : memref<100x136xf32, #tpu.memory_space<vmem>>, vector<16xf32>,
        tpu.vector_store %arg14[%parallel_loop3A_186, %parallel_loop3A_187], %parallel_loop3A_185 {strides = array<i32>} : memref<100x136xf32, #tpu.memory_space<vmem>>, vector<16xf32>,
        %parallel_loop3A_189 = vector.extract_strided_slice %parallel_loop3A_148 {offsets = [12], sizes = [1], strides = [1]} : vector<16xf32> to vector<1xf32>
        %parallel_loop3A_190 = vector.extract %parallel_loop3A_189[0] : f32 from vector<1xf32>
        %parallel_loop3A_191 = arith.index_cast %parallel_loop3A_133 : i32 to index
        %parallel_loop3A_192 = arith.constant 64 : index
        %parallel_loop3A_193 = tpu.vector_load %arg14[%parallel_loop3A_191, %parallel_loop3A_192] {strides = array<i32>} : memref<100x136xf32, #tpu.memory_space<vmem>>, vector<16xf32>,
        %parallel_loop3A_194 = vector.broadcast %parallel_loop3A_190 : f32 to vector<16xf32>
        %parallel_loop3A_195 = arith.mulf %parallel_loop3A_194, %parallel_loop3A_193 : vector<16xf32>
        %parallel_loop3A_196 = arith.index_cast %parallel_loop3A_133 : i32 to index
        %parallel_loop3A_197 = arith.constant 64 : index
        %parallel_loop3A_198 = tpu.vector_load %arg14[%parallel_loop3A_196, %parallel_loop3A_197] {strides = array<i32>} : memref<100x136xf32, #tpu.memory_space<vmem>>, vector<16xf32>,
        tpu.vector_store %arg14[%parallel_loop3A_196, %parallel_loop3A_197], %parallel_loop3A_195 {strides = array<i32>} : memref<100x136xf32, #tpu.memory_space<vmem>>, vector<16xf32>,
        %parallel_loop3A_199 = vector.extract_strided_slice %parallel_loop3A_148 {offsets = [13], sizes = [1], strides = [1]} : vector<16xf32> to vector<1xf32>
        %parallel_loop3A_200 = vector.extract %parallel_loop3A_199[0] : f32 from vector<1xf32>
        %parallel_loop3A_201 = arith.index_cast %parallel_loop3A_133 : i32 to index
        %parallel_loop3A_202 = arith.constant 80 : index
        %parallel_loop3A_203 = tpu.vector_load %arg14[%parallel_loop3A_201, %parallel_loop3A_202] {strides = array<i32>} : memref<100x136xf32, #tpu.memory_space<vmem>>, vector<16xf32>,
        %parallel_loop3A_204 = vector.broadcast %parallel_loop3A_200 : f32 to vector<16xf32>
        %parallel_loop3A_205 = arith.mulf %parallel_loop3A_204, %parallel_loop3A_203 : vector<16xf32>
        %parallel_loop3A_206 = arith.index_cast %parallel_loop3A_133 : i32 to index
        %parallel_loop3A_207 = arith.constant 80 : index
        %parallel_loop3A_208 = tpu.vector_load %arg14[%parallel_loop3A_206, %parallel_loop3A_207] {strides = array<i32>} : memref<100x136xf32, #tpu.memory_space<vmem>>, vector<16xf32>,
        tpu.vector_store %arg14[%parallel_loop3A_206, %parallel_loop3A_207], %parallel_loop3A_205 {strides = array<i32>} : memref<100x136xf32, #tpu.memory_space<vmem>>, vector<16xf32>,
        %parallel_loop3A_209 = vector.extract_strided_slice %parallel_loop3A_148 {offsets = [14], sizes = [1], strides = [1]} : vector<16xf32> to vector<1xf32>
        %parallel_loop3A_210 = vector.extract %parallel_loop3A_209[0] : f32 from vector<1xf32>
        %parallel_loop3A_211 = arith.index_cast %parallel_loop3A_133 : i32 to index
        %parallel_loop3A_212 = arith.constant 96 : index
        %parallel_loop3A_213 = tpu.vector_load %arg14[%parallel_loop3A_211, %parallel_loop3A_212] {strides = array<i32>} : memref<100x136xf32, #tpu.memory_space<vmem>>, vector<16xf32>,
        %parallel_loop3A_214 = vector.broadcast %parallel_loop3A_210 : f32 to vector<16xf32>
        %parallel_loop3A_215 = arith.mulf %parallel_loop3A_214, %parallel_loop3A_213 : vector<16xf32>
        %parallel_loop3A_216 = arith.index_cast %parallel_loop3A_133 : i32 to index
        %parallel_loop3A_217 = arith.constant 96 : index
        %parallel_loop3A_218 = tpu.vector_load %arg14[%parallel_loop3A_216, %parallel_loop3A_217] {strides = array<i32>} : memref<100x136xf32, #tpu.memory_space<vmem>>, vector<16xf32>,
        tpu.vector_store %arg14[%parallel_loop3A_216, %parallel_loop3A_217], %parallel_loop3A_215 {strides = array<i32>} : memref<100x136xf32, #tpu.memory_space<vmem>>, vector<16xf32>,
        %parallel_loop3A_219 = vector.extract_strided_slice %parallel_loop3A_148 {offsets = [15], sizes = [1], strides = [1]} : vector<16xf32> to vector<1xf32>
        %parallel_loop3A_220 = vector.extract %parallel_loop3A_219[0] : f32 from vector<1xf32>
        %parallel_loop3A_221 = arith.index_cast %parallel_loop3A_133 : i32 to index
        %parallel_loop3A_222 = arith.constant 112 : index
        %parallel_loop3A_223 = tpu.vector_load %arg14[%parallel_loop3A_221, %parallel_loop3A_222] {strides = array<i32>} : memref<100x136xf32, #tpu.memory_space<vmem>>, vector<16xf32>,
        %parallel_loop3A_224 = vector.broadcast %parallel_loop3A_220 : f32 to vector<16xf32>
        %parallel_loop3A_225 = arith.mulf %parallel_loop3A_224, %parallel_loop3A_223 : vector<16xf32>
        %parallel_loop3A_226 = arith.index_cast %parallel_loop3A_133 : i32 to index
        %parallel_loop3A_227 = arith.constant 112 : index
        %parallel_loop3A_228 = tpu.vector_load %arg14[%parallel_loop3A_226, %parallel_loop3A_227] {strides = array<i32>} : memref<100x136xf32, #tpu.memory_space<vmem>>, vector<16xf32>,
        tpu.vector_store %arg14[%parallel_loop3A_226, %parallel_loop3A_227], %parallel_loop3A_225 {strides = array<i32>} : memref<100x136xf32, #tpu.memory_space<vmem>>, vector<16xf32>,
        %parallel_loop3A_229 = arith.index_cast %parallel_loop3A_133 : i32 to index
        %parallel_loop3A_230 = arith.constant 120 : index
        %parallel_loop3A_231 = tpu.vector_load %arg14[%parallel_loop3A_229, %parallel_loop3A_230] {strides = array<i32>} : memref<100x136xf32, #tpu.memory_space<vmem>>, vector<16xf32>,
        %parallel_loop3A_232 = arith.constant 8 : i32
        %parallel_loop3A_233 = vector.broadcast %parallel_loop3A_232 : i32 to vector<16xi32>
        %parallel_loop3A_234 = arith.cmpi slt, %iota3A, %parallel_loop3A_233 : vector<16xi32>
        %parallel_loop3A_235 = arith.select %parallel_loop3A_234, %parallel_loop3A_231, %parallel_loop3A_148 : vector<16xi1>, vector<16xf32>
        %parallel_loop3A_236 = arith.index_cast %parallel_loop3A_133 : i32 to index
        %parallel_loop3A_237 = arith.constant 120 : index
        %parallel_loop3A_238 = tpu.vector_load %arg14[%parallel_loop3A_236, %parallel_loop3A_237] {strides = array<i32>} : memref<100x136xf32, #tpu.memory_space<vmem>>, vector<16xf32>,
        tpu.vector_store %arg14[%parallel_loop3A_236, %parallel_loop3A_237], %parallel_loop3A_235 {strides = array<i32>} : memref<100x136xf32, #tpu.memory_space<vmem>>, vector<16xf32>,
      } {sc.loop_unroll_factor = 2 : i64, sc.parallel_access}
      %dma_start3A_77 = arith.constant 0 : i32
      %dma_start3A_78 = tpu.memref_slice %arg9[%add3A_41, %dma_start3A_77] : memref<100x100xi32, #tpu.memory_space<vmem>> -> memref<1x100xi32, #tpu.memory_space<vmem>>
      %dma_start3A_79 = tpu.memref_squeeze %dma_start3A_78 : memref<1x100xi32, #tpu.memory_space<vmem>> -> memref<100xi32, #tpu.memory_space<vmem>>
      %dma_start3A_80 = arith.constant 0 : i32
      %dma_start3A_81 = arith.constant 0 : i32
      %dma_start3A_82 = tpu.memref_slice %arg8[%dma_start3A_80, %dma_start3A_81] : memref<10000x136xf32, #tpu.memory_space<vmem_shared>> -> memref<10000x136xf32, #tpu.memory_space<vmem_shared>>
      tpu.enqueue_indirect_dma source(%arg14 : memref<100x136xf32, #tpu.memory_space<vmem>>) target(%dma_start3A_82 : memref<10000x136xf32, #tpu.memory_space<vmem_shared>>) offsets(%dma_start3A_79 : memref<100xi32, #tpu.memory_space<vmem>>) semaphore(%arg18 : memref<!tpu.dma_semaphore, #tpu.memory_space<semaphore_mem>>) {add = true}
      %add3A_83 = arith.constant 1 : i32
      %add3A_84 = arith.addi %add3A_41, %add3A_83 : i32
      %dma_wait3A_85 = arith.constant 0 : i32
      %dma_wait3A_86 = tpu.memref_slice %arg9[%add3A_84, %dma_wait3A_85] : memref<100x100xi32, #tpu.memory_space<vmem>> -> memref<1x100xi32, #tpu.memory_space<vmem>>
      %dma_wait3A_87 = tpu.memref_squeeze %dma_wait3A_86 : memref<1x100xi32, #tpu.memory_space<vmem>> -> memref<100xi32, #tpu.memory_space<vmem>>
      %dma_wait3A_88 = arith.constant 0 : i32
      %dma_wait3A_89 = arith.constant 0 : i32
      %dma_wait3A_90 = tpu.memref_slice %arg5[%dma_wait3A_88, %dma_wait3A_89] : memref<10000x16xf32, #tpu.memory_space<hbm>> -> memref<10000x16xf32, #tpu.memory_space<hbm>>
      tpu.wait_indirect_dma semaphore(%arg17 : memref<!tpu.dma_semaphore, #tpu.memory_space<semaphore_mem>>) src(%dma_wait3A_90 : memref<10000x16xf32, #tpu.memory_space<hbm>>) dst(%arg13 : memref<100x16xf32, #tpu.memory_space<vmem>>)
      %dma_wait3A_91 = arith.constant 0 : i32
      %dma_wait3A_92 = arith.constant 0 : i32
      %dma_wait3A_93 = tpu.memref_slice %arg4[%dma_wait3A_91, %dma_wait3A_92] : memref<10000x136xf32, #tpu.memory_space<hbm>> -> memref<10000x136xf32, #tpu.memory_space<hbm>>
      tpu.wait_indirect_dma semaphore(%arg17 : memref<!tpu.dma_semaphore, #tpu.memory_space<semaphore_mem>>) src(%dma_wait3A_93 : memref<10000x136xf32, #tpu.memory_space<hbm>>) dst(%arg15 : memref<100x136xf32, #tpu.memory_space<vmem>>)
      %add3A_94 = arith.constant 3 : i32
      %add3A_95 = arith.addi %add3A_41, %add3A_94 : i32
      %lt3A_96 = arith.constant 100 : i32
      %lt3A_97 = arith.cmpi slt, %add3A_95, %lt3A_96 : i32
      %convert_element_type3A_98 = arith.extui %lt3A_97 : i1 to i32
      %cond3A_99 = arith.constant 0 : i32
      %cond3A_100 = arith.cmpi ne, %convert_element_type3A_98, %cond3A_99 : i32
      scf.if %cond3A_100 {
        %add3A_133 = arith.constant 3 : i32
        %add3A_134 = arith.addi %add3A_41, %add3A_133 : i32
        %dma_start3A_135 = arith.constant 0 : i32
        %dma_start3A_136 = tpu.memref_slice %arg2[%add3A, %add3A_134, %dma_start3A_135] : memref<32x100x100xi32, #tpu.memory_space<hbm>> -> memref<1x1x100xi32, #tpu.memory_space<hbm>>
        %dma_start3A_137 = tpu.memref_squeeze %dma_start3A_136 : memref<1x1x100xi32, #tpu.memory_space<hbm>> -> memref<100xi32, #tpu.memory_space<hbm>>
        %dma_start3A_138 = arith.constant 0 : i32
        %dma_start3A_139 = tpu.memref_slice %arg2[%add3A, %add3A_134, %dma_start3A_138] : memref<32x100x100xi32, #tpu.memory_space<hbm>> -> memref<1x1x100xi32, #tpu.memory_space<hbm>>
        %dma_start3A_140 = tpu.memref_squeeze %dma_start3A_139 : memref<1x1x100xi32, #tpu.memory_space<hbm>> -> memref<100xi32, #tpu.memory_space<hbm>>
        tpu.enqueue_dma source(%dma_start3A_140 : memref<100xi32, #tpu.memory_space<hbm>>) target(%arg11 : memref<100xi32, #tpu.memory_space<vmem>>) target_semaphore(%arg21 : memref<!tpu.dma_semaphore, #tpu.memory_space<semaphore_mem>>)
      } else {
      }
      %parallel_loop3A_101 = arith.constant 0 : i32
      %parallel_loop3A_102 = arith.constant 100 : i32
      %parallel_loop3A_103 = arith.constant 1 : i32
      scf.for %parallel_loop3A_133 = %parallel_loop3A_101 to %parallel_loop3A_102 step %parallel_loop3A_103  : i32 {
        %parallel_loop3A_134 = arith.index_cast %parallel_loop3A_133 : i32 to index
        %parallel_loop3A_135 = arith.constant 120 : index
        %parallel_loop3A_136 = tpu.vector_load %arg15[%parallel_loop3A_134, %parallel_loop3A_135] {strides = array<i32>} : memref<100x136xf32, #tpu.memory_space<vmem>>, vector<16xf32>,
        %parallel_loop3A_137 = arith.index_cast %parallel_loop3A_133 : i32 to index
        %parallel_loop3A_138 = arith.constant 0 : index
        %parallel_loop3A_139 = tpu.vector_load %arg13[%parallel_loop3A_137, %parallel_loop3A_138] {strides = array<i32>} : memref<100x16xf32, #tpu.memory_space<vmem>>, vector<16xf32>,
        %parallel_loop3A_140 = arith.addf %parallel_loop3A_136, %parallel_loop3A_139 : vector<16xf32>
        %parallel_loop3A_141 = arith.constant 0.000000e+00 : f32
        %parallel_loop3A_142 = vector.broadcast %parallel_loop3A_141 : f32 to vector<16xf32>
        %parallel_loop3A_143 = arith.cmpf oge, %parallel_loop3A_140, %parallel_loop3A_142 : vector<16xf32>
        %parallel_loop3A_144 = arith.constant 2.000000e-01 : f32
        %parallel_loop3A_145 = vector.broadcast %parallel_loop3A_144 : f32 to vector<16xf32>
        %parallel_loop3A_146 = arith.mulf %parallel_loop3A_145, %parallel_loop3A_140 : vector<16xf32>
        %parallel_loop3A_147 = arith.select %parallel_loop3A_143, %parallel_loop3A_140, %parallel_loop3A_146 : vector<16xi1>, vector<16xf32>
        %parallel_loop3A_148 = math.exp %parallel_loop3A_147 : vector<16xf32>
        %parallel_loop3A_149 = vector.extract_strided_slice %parallel_loop3A_148 {offsets = [8], sizes = [1], strides = [1]} : vector<16xf32> to vector<1xf32>
        %parallel_loop3A_150 = vector.extract %parallel_loop3A_149[0] : f32 from vector<1xf32>
        %parallel_loop3A_151 = arith.index_cast %parallel_loop3A_133 : i32 to index
        %parallel_loop3A_152 = arith.constant 0 : index
        %parallel_loop3A_153 = tpu.vector_load %arg15[%parallel_loop3A_151, %parallel_loop3A_152] {strides = array<i32>} : memref<100x136xf32, #tpu.memory_space<vmem>>, vector<16xf32>,
        %parallel_loop3A_154 = vector.broadcast %parallel_loop3A_150 : f32 to vector<16xf32>
        %parallel_loop3A_155 = arith.mulf %parallel_loop3A_154, %parallel_loop3A_153 : vector<16xf32>
        %parallel_loop3A_156 = arith.index_cast %parallel_loop3A_133 : i32 to index
        %parallel_loop3A_157 = arith.constant 0 : index
        %parallel_loop3A_158 = tpu.vector_load %arg15[%parallel_loop3A_156, %parallel_loop3A_157] {strides = array<i32>} : memref<100x136xf32, #tpu.memory_space<vmem>>, vector<16xf32>,
        tpu.vector_store %arg15[%parallel_loop3A_156, %parallel_loop3A_157], %parallel_loop3A_155 {strides = array<i32>} : memref<100x136xf32, #tpu.memory_space<vmem>>, vector<16xf32>,
        %parallel_loop3A_159 = vector.extract_strided_slice %parallel_loop3A_148 {offsets = [9], sizes = [1], strides = [1]} : vector<16xf32> to vector<1xf32>
        %parallel_loop3A_160 = vector.extract %parallel_loop3A_159[0] : f32 from vector<1xf32>
        %parallel_loop3A_161 = arith.index_cast %parallel_loop3A_133 : i32 to index
        %parallel_loop3A_162 = arith.constant 16 : index
        %parallel_loop3A_163 = tpu.vector_load %arg15[%parallel_loop3A_161, %parallel_loop3A_162] {strides = array<i32>} : memref<100x136xf32, #tpu.memory_space<vmem>>, vector<16xf32>,
        %parallel_loop3A_164 = vector.broadcast %parallel_loop3A_160 : f32 to vector<16xf32>
        %parallel_loop3A_165 = arith.mulf %parallel_loop3A_164, %parallel_loop3A_163 : vector<16xf32>
        %parallel_loop3A_166 = arith.index_cast %parallel_loop3A_133 : i32 to index
        %parallel_loop3A_167 = arith.constant 16 : index
        %parallel_loop3A_168 = tpu.vector_load %arg15[%parallel_loop3A_166, %parallel_loop3A_167] {strides = array<i32>} : memref<100x136xf32, #tpu.memory_space<vmem>>, vector<16xf32>,
        tpu.vector_store %arg15[%parallel_loop3A_166, %parallel_loop3A_167], %parallel_loop3A_165 {strides = array<i32>} : memref<100x136xf32, #tpu.memory_space<vmem>>, vector<16xf32>,
        %parallel_loop3A_169 = vector.extract_strided_slice %parallel_loop3A_148 {offsets = [10], sizes = [1], strides = [1]} : vector<16xf32> to vector<1xf32>
        %parallel_loop3A_170 = vector.extract %parallel_loop3A_169[0] : f32 from vector<1xf32>
        %parallel_loop3A_171 = arith.index_cast %parallel_loop3A_133 : i32 to index
        %parallel_loop3A_172 = arith.constant 32 : index
        %parallel_loop3A_173 = tpu.vector_load %arg15[%parallel_loop3A_171, %parallel_loop3A_172] {strides = array<i32>} : memref<100x136xf32, #tpu.memory_space<vmem>>, vector<16xf32>,
        %parallel_loop3A_174 = vector.broadcast %parallel_loop3A_170 : f32 to vector<16xf32>
        %parallel_loop3A_175 = arith.mulf %parallel_loop3A_174, %parallel_loop3A_173 : vector<16xf32>
        %parallel_loop3A_176 = arith.index_cast %parallel_loop3A_133 : i32 to index
        %parallel_loop3A_177 = arith.constant 32 : index
        %parallel_loop3A_178 = tpu.vector_load %arg15[%parallel_loop3A_176, %parallel_loop3A_177] {strides = array<i32>} : memref<100x136xf32, #tpu.memory_space<vmem>>, vector<16xf32>,
        tpu.vector_store %arg15[%parallel_loop3A_176, %parallel_loop3A_177], %parallel_loop3A_175 {strides = array<i32>} : memref<100x136xf32, #tpu.memory_space<vmem>>, vector<16xf32>,
        %parallel_loop3A_179 = vector.extract_strided_slice %parallel_loop3A_148 {offsets = [11], sizes = [1], strides = [1]} : vector<16xf32> to vector<1xf32>
        %parallel_loop3A_180 = vector.extract %parallel_loop3A_179[0] : f32 from vector<1xf32>
        %parallel_loop3A_181 = arith.index_cast %parallel_loop3A_133 : i32 to index
        %parallel_loop3A_182 = arith.constant 48 : index
        %parallel_loop3A_183 = tpu.vector_load %arg15[%parallel_loop3A_181, %parallel_loop3A_182] {strides = array<i32>} : memref<100x136xf32, #tpu.memory_space<vmem>>, vector<16xf32>,
        %parallel_loop3A_184 = vector.broadcast %parallel_loop3A_180 : f32 to vector<16xf32>
        %parallel_loop3A_185 = arith.mulf %parallel_loop3A_184, %parallel_loop3A_183 : vector<16xf32>
        %parallel_loop3A_186 = arith.index_cast %parallel_loop3A_133 : i32 to index
        %parallel_loop3A_187 = arith.constant 48 : index
        %parallel_loop3A_188 = tpu.vector_load %arg15[%parallel_loop3A_186, %parallel_loop3A_187] {strides = array<i32>} : memref<100x136xf32, #tpu.memory_space<vmem>>, vector<16xf32>,
        tpu.vector_store %arg15[%parallel_loop3A_186, %parallel_loop3A_187], %parallel_loop3A_185 {strides = array<i32>} : memref<100x136xf32, #tpu.memory_space<vmem>>, vector<16xf32>,
        %parallel_loop3A_189 = vector.extract_strided_slice %parallel_loop3A_148 {offsets = [12], sizes = [1], strides = [1]} : vector<16xf32> to vector<1xf32>
        %parallel_loop3A_190 = vector.extract %parallel_loop3A_189[0] : f32 from vector<1xf32>
        %parallel_loop3A_191 = arith.index_cast %parallel_loop3A_133 : i32 to index
        %parallel_loop3A_192 = arith.constant 64 : index
        %parallel_loop3A_193 = tpu.vector_load %arg15[%parallel_loop3A_191, %parallel_loop3A_192] {strides = array<i32>} : memref<100x136xf32, #tpu.memory_space<vmem>>, vector<16xf32>,
        %parallel_loop3A_194 = vector.broadcast %parallel_loop3A_190 : f32 to vector<16xf32>
        %parallel_loop3A_195 = arith.mulf %parallel_loop3A_194, %parallel_loop3A_193 : vector<16xf32>
        %parallel_loop3A_196 = arith.index_cast %parallel_loop3A_133 : i32 to index
        %parallel_loop3A_197 = arith.constant 64 : index
        %parallel_loop3A_198 = tpu.vector_load %arg15[%parallel_loop3A_196, %parallel_loop3A_197] {strides = array<i32>} : memref<100x136xf32, #tpu.memory_space<vmem>>, vector<16xf32>,
        tpu.vector_store %arg15[%parallel_loop3A_196, %parallel_loop3A_197], %parallel_loop3A_195 {strides = array<i32>} : memref<100x136xf32, #tpu.memory_space<vmem>>, vector<16xf32>,
        %parallel_loop3A_199 = vector.extract_strided_slice %parallel_loop3A_148 {offsets = [13], sizes = [1], strides = [1]} : vector<16xf32> to vector<1xf32>
        %parallel_loop3A_200 = vector.extract %parallel_loop3A_199[0] : f32 from vector<1xf32>
        %parallel_loop3A_201 = arith.index_cast %parallel_loop3A_133 : i32 to index
        %parallel_loop3A_202 = arith.constant 80 : index
        %parallel_loop3A_203 = tpu.vector_load %arg15[%parallel_loop3A_201, %parallel_loop3A_202] {strides = array<i32>} : memref<100x136xf32, #tpu.memory_space<vmem>>, vector<16xf32>,
        %parallel_loop3A_204 = vector.broadcast %parallel_loop3A_200 : f32 to vector<16xf32>
        %parallel_loop3A_205 = arith.mulf %parallel_loop3A_204, %parallel_loop3A_203 : vector<16xf32>
        %parallel_loop3A_206 = arith.index_cast %parallel_loop3A_133 : i32 to index
        %parallel_loop3A_207 = arith.constant 80 : index
        %parallel_loop3A_208 = tpu.vector_load %arg15[%parallel_loop3A_206, %parallel_loop3A_207] {strides = array<i32>} : memref<100x136xf32, #tpu.memory_space<vmem>>, vector<16xf32>,
        tpu.vector_store %arg15[%parallel_loop3A_206, %parallel_loop3A_207], %parallel_loop3A_205 {strides = array<i32>} : memref<100x136xf32, #tpu.memory_space<vmem>>, vector<16xf32>,
        %parallel_loop3A_209 = vector.extract_strided_slice %parallel_loop3A_148 {offsets = [14], sizes = [1], strides = [1]} : vector<16xf32> to vector<1xf32>
        %parallel_loop3A_210 = vector.extract %parallel_loop3A_209[0] : f32 from vector<1xf32>
        %parallel_loop3A_211 = arith.index_cast %parallel_loop3A_133 : i32 to index
        %parallel_loop3A_212 = arith.constant 96 : index
        %parallel_loop3A_213 = tpu.vector_load %arg15[%parallel_loop3A_211, %parallel_loop3A_212] {strides = array<i32>} : memref<100x136xf32, #tpu.memory_space<vmem>>, vector<16xf32>,
        %parallel_loop3A_214 = vector.broadcast %parallel_loop3A_210 : f32 to vector<16xf32>
        %parallel_loop3A_215 = arith.mulf %parallel_loop3A_214, %parallel_loop3A_213 : vector<16xf32>
        %parallel_loop3A_216 = arith.index_cast %parallel_loop3A_133 : i32 to index
        %parallel_loop3A_217 = arith.constant 96 : index
        %parallel_loop3A_218 = tpu.vector_load %arg15[%parallel_loop3A_216, %parallel_loop3A_217] {strides = array<i32>} : memref<100x136xf32, #tpu.memory_space<vmem>>, vector<16xf32>,
        tpu.vector_store %arg15[%parallel_loop3A_216, %parallel_loop3A_217], %parallel_loop3A_215 {strides = array<i32>} : memref<100x136xf32, #tpu.memory_space<vmem>>, vector<16xf32>,
        %parallel_loop3A_219 = vector.extract_strided_slice %parallel_loop3A_148 {offsets = [15], sizes = [1], strides = [1]} : vector<16xf32> to vector<1xf32>
        %parallel_loop3A_220 = vector.extract %parallel_loop3A_219[0] : f32 from vector<1xf32>
        %parallel_loop3A_221 = arith.index_cast %parallel_loop3A_133 : i32 to index
        %parallel_loop3A_222 = arith.constant 112 : index
        %parallel_loop3A_223 = tpu.vector_load %arg15[%parallel_loop3A_221, %parallel_loop3A_222] {strides = array<i32>} : memref<100x136xf32, #tpu.memory_space<vmem>>, vector<16xf32>,
        %parallel_loop3A_224 = vector.broadcast %parallel_loop3A_220 : f32 to vector<16xf32>
        %parallel_loop3A_225 = arith.mulf %parallel_loop3A_224, %parallel_loop3A_223 : vector<16xf32>
        %parallel_loop3A_226 = arith.index_cast %parallel_loop3A_133 : i32 to index
        %parallel_loop3A_227 = arith.constant 112 : index
        %parallel_loop3A_228 = tpu.vector_load %arg15[%parallel_loop3A_226, %parallel_loop3A_227] {strides = array<i32>} : memref<100x136xf32, #tpu.memory_space<vmem>>, vector<16xf32>,
        tpu.vector_store %arg15[%parallel_loop3A_226, %parallel_loop3A_227], %parallel_loop3A_225 {strides = array<i32>} : memref<100x136xf32, #tpu.memory_space<vmem>>, vector<16xf32>,
        %parallel_loop3A_229 = arith.index_cast %parallel_loop3A_133 : i32 to index
        %parallel_loop3A_230 = arith.constant 120 : index
        %parallel_loop3A_231 = tpu.vector_load %arg15[%parallel_loop3A_229, %parallel_loop3A_230] {strides = array<i32>} : memref<100x136xf32, #tpu.memory_space<vmem>>, vector<16xf32>,
        %parallel_loop3A_232 = arith.constant 8 : i32
        %parallel_loop3A_233 = vector.broadcast %parallel_loop3A_232 : i32 to vector<16xi32>
        %parallel_loop3A_234 = arith.cmpi slt, %iota3A, %parallel_loop3A_233 : vector<16xi32>
        %parallel_loop3A_235 = arith.select %parallel_loop3A_234, %parallel_loop3A_231, %parallel_loop3A_148 : vector<16xi1>, vector<16xf32>
        %parallel_loop3A_236 = arith.index_cast %parallel_loop3A_133 : i32 to index
        %parallel_loop3A_237 = arith.constant 120 : index
        %parallel_loop3A_238 = tpu.vector_load %arg15[%parallel_loop3A_236, %parallel_loop3A_237] {strides = array<i32>} : memref<100x136xf32, #tpu.memory_space<vmem>>, vector<16xf32>,
        tpu.vector_store %arg15[%parallel_loop3A_236, %parallel_loop3A_237], %parallel_loop3A_235 {strides = array<i32>} : memref<100x136xf32, #tpu.memory_space<vmem>>, vector<16xf32>,
      } {sc.loop_unroll_factor = 2 : i64, sc.parallel_access}
      %add3A_104 = arith.constant 1 : i32
      %add3A_105 = arith.addi %add3A_41, %add3A_104 : i32
      %dma_start3A_106 = arith.constant 0 : i32
      %dma_start3A_107 = tpu.memref_slice %arg9[%add3A_105, %dma_start3A_106] : memref<100x100xi32, #tpu.memory_space<vmem>> -> memref<1x100xi32, #tpu.memory_space<vmem>>
      %dma_start3A_108 = tpu.memref_squeeze %dma_start3A_107 : memref<1x100xi32, #tpu.memory_space<vmem>> -> memref<100xi32, #tpu.memory_space<vmem>>
      %dma_start3A_109 = arith.constant 0 : i32
      %dma_start3A_110 = arith.constant 0 : i32
      %dma_start3A_111 = tpu.memref_slice %arg8[%dma_start3A_109, %dma_start3A_110] : memref<10000x136xf32, #tpu.memory_space<vmem_shared>> -> memref<10000x136xf32, #tpu.memory_space<vmem_shared>>
      tpu.enqueue_indirect_dma source(%arg15 : memref<100x136xf32, #tpu.memory_space<vmem>>) target(%dma_start3A_111 : memref<10000x136xf32, #tpu.memory_space<vmem_shared>>) offsets(%dma_start3A_108 : memref<100xi32, #tpu.memory_space<vmem>>) semaphore(%arg19 : memref<!tpu.dma_semaphore, #tpu.memory_space<semaphore_mem>>) {add = true}
      %dma_wait3A_112 = arith.constant 0 : i32
      %dma_wait3A_113 = tpu.memref_slice %arg9[%add3A_41, %dma_wait3A_112] : memref<100x100xi32, #tpu.memory_space<vmem>> -> memref<1x100xi32, #tpu.memory_space<vmem>>
      %dma_wait3A_114 = tpu.memref_squeeze %dma_wait3A_113 : memref<1x100xi32, #tpu.memory_space<vmem>> -> memref<100xi32, #tpu.memory_space<vmem>>
      %dma_wait3A_115 = arith.constant 0 : i32
      %dma_wait3A_116 = arith.constant 0 : i32
      %dma_wait3A_117 = tpu.memref_slice %arg8[%dma_wait3A_115, %dma_wait3A_116] : memref<10000x136xf32, #tpu.memory_space<vmem_shared>> -> memref<10000x136xf32, #tpu.memory_space<vmem_shared>>
      tpu.wait_indirect_dma semaphore(%arg18 : memref<!tpu.dma_semaphore, #tpu.memory_space<semaphore_mem>>) src(%arg14 : memref<100x136xf32, #tpu.memory_space<vmem>>) dst(%dma_wait3A_117 : memref<10000x136xf32, #tpu.memory_space<vmem_shared>>)
      %add3A_118 = arith.constant 2 : i32
      %add3A_119 = arith.addi %add3A_41, %add3A_118 : i32
      %lt3A_120 = arith.constant 100 : i32
      %lt3A_121 = arith.cmpi slt, %add3A_119, %lt3A_120 : i32
      %convert_element_type3A_122 = arith.extui %lt3A_121 : i1 to i32
      %cond3A_123 = arith.constant 0 : i32
      %cond3A_124 = arith.cmpi ne, %convert_element_type3A_122, %cond3A_123 : i32
      scf.if %cond3A_124 {
        %add3A_133 = arith.constant 2 : i32
        %add3A_134 = arith.addi %add3A_41, %add3A_133 : i32
        %dma_wait3A_135 = arith.constant 0 : i32
        %dma_wait3A_136 = tpu.memref_slice %arg2[%add3A, %add3A_134, %dma_wait3A_135] : memref<32x100x100xi32, #tpu.memory_space<hbm>> -> memref<1x1x100xi32, #tpu.memory_space<hbm>>
        %dma_wait3A_137 = tpu.memref_squeeze %dma_wait3A_136 : memref<1x1x100xi32, #tpu.memory_space<hbm>> -> memref<100xi32, #tpu.memory_space<hbm>>
        %dma_wait3A_138 = arith.constant 0 : i32
        %dma_wait3A_139 = tpu.memref_slice %arg2[%add3A, %add3A_134, %dma_wait3A_138] : memref<32x100x100xi32, #tpu.memory_space<hbm>> -> memref<1x1x100xi32, #tpu.memory_space<hbm>>
        %dma_wait3A_140 = tpu.memref_squeeze %dma_wait3A_139 : memref<1x1x100xi32, #tpu.memory_space<hbm>> -> memref<100xi32, #tpu.memory_space<hbm>>
        tpu.wait_dma2 semaphore(%arg20 : memref<!tpu.dma_semaphore, #tpu.memory_space<semaphore_mem>>) src(%dma_wait3A_140 : memref<100xi32, #tpu.memory_space<hbm>>) dst(%arg10 : memref<100xi32, #tpu.memory_space<vmem>>)
        %add3A_141 = arith.constant 2 : i32
        %add3A_142 = arith.addi %add3A_41, %add3A_141 : i32
        %dma_start3A_143 = arith.constant 0 : i32
        %dma_start3A_144 = tpu.memref_slice %arg9[%add3A_142, %dma_start3A_143] : memref<100x100xi32, #tpu.memory_space<vmem>> -> memref<1x100xi32, #tpu.memory_space<vmem>>
        %dma_start3A_145 = tpu.memref_squeeze %dma_start3A_144 : memref<1x100xi32, #tpu.memory_space<vmem>> -> memref<100xi32, #tpu.memory_space<vmem>>
        %dma_start3A_146 = arith.constant 0 : i32
        %dma_start3A_147 = arith.constant 0 : i32
        %dma_start3A_148 = tpu.memref_slice %arg5[%dma_start3A_146, %dma_start3A_147] : memref<10000x16xf32, #tpu.memory_space<hbm>> -> memref<10000x16xf32, #tpu.memory_space<hbm>>
        tpu.enqueue_indirect_dma source(%dma_start3A_148 : memref<10000x16xf32, #tpu.memory_space<hbm>>) target(%arg12 : memref<100x16xf32, #tpu.memory_space<vmem>>) offsets(%dma_start3A_145 : memref<100xi32, #tpu.memory_space<vmem>>) semaphore(%arg16 : memref<!tpu.dma_semaphore, #tpu.memory_space<semaphore_mem>>)
        %dma_start3A_149 = arith.constant 0 : i32
        %dma_start3A_150 = arith.constant 0 : i32
        %dma_start3A_151 = tpu.memref_slice %arg4[%dma_start3A_149, %dma_start3A_150] : memref<10000x136xf32, #tpu.memory_space<hbm>> -> memref<10000x136xf32, #tpu.memory_space<hbm>>
        tpu.enqueue_indirect_dma source(%dma_start3A_151 : memref<10000x136xf32, #tpu.memory_space<hbm>>) target(%arg14 : memref<100x136xf32, #tpu.memory_space<vmem>>) offsets(%arg10 : memref<100xi32, #tpu.memory_space<vmem>>) semaphore(%arg16 : memref<!tpu.dma_semaphore, #tpu.memory_space<semaphore_mem>>)
      } else {
      }
      %add3A_125 = arith.constant 1 : i32
      %add3A_126 = arith.addi %add3A_41, %add3A_125 : i32
      %dma_wait3A_127 = arith.constant 0 : i32
      %dma_wait3A_128 = tpu.memref_slice %arg9[%add3A_126, %dma_wait3A_127] : memref<100x100xi32, #tpu.memory_space<vmem>> -> memref<1x100xi32, #tpu.memory_space<vmem>>
      %dma_wait3A_129 = tpu.memref_squeeze %dma_wait3A_128 : memref<1x100xi32, #tpu.memory_space<vmem>> -> memref<100xi32, #tpu.memory_space<vmem>>
      %dma_wait3A_130 = arith.constant 0 : i32
      %dma_wait3A_131 = arith.constant 0 : i32
      %dma_wait3A_132 = tpu.memref_slice %arg8[%dma_wait3A_130, %dma_wait3A_131] : memref<10000x136xf32, #tpu.memory_space<vmem_shared>> -> memref<10000x136xf32, #tpu.memory_space<vmem_shared>>
      tpu.wait_indirect_dma semaphore(%arg19 : memref<!tpu.dma_semaphore, #tpu.memory_space<semaphore_mem>>) src(%arg15 : memref<100x136xf32, #tpu.memory_space<vmem>>) dst(%dma_wait3A_132 : memref<10000x136xf32, #tpu.memory_space<vmem_shared>>)
    }
    %scan3A_26 = arith.constant 50 : i32
    %barrier3A_27 = arith.constant 0 : index
    tpu.barrier barrier_id(%barrier3A_27)
    %mul3A_28 = arith.constant 624 : i32
    %mul3A_29 = arith.muli %arg1, %mul3A_28 : i32
    %mul3A_30 = arith.constant 624 : i32
    %mul3A_31 = arith.muli %arg1, %mul3A_30 : i32
    "tpu.region"() ({
      %run_scoped3A_37 = tpu.sem_alloc : memref<!tpu.dma_semaphore, #tpu.memory_space<semaphore_mem>>
      %dma_start3A_38 = arith.constant 0 : i32
      %dma_start3A_39 = tpu.memref_slice %arg7[%arg0, %mul3A_31, %dma_start3A_38] : memref<2x10000x136xf32, #tpu.memory_space<hbm>> -> memref<1x624x136xf32, #tpu.memory_space<hbm>>
      %dma_start3A_40 = tpu.memref_squeeze %dma_start3A_39 : memref<1x624x136xf32, #tpu.memory_space<hbm>> -> memref<624x136xf32, #tpu.memory_space<hbm>>
      %dma_start3A_41 = arith.constant 0 : i32
      %dma_start3A_42 = tpu.memref_slice %arg8[%mul3A_29, %dma_start3A_41] : memref<10000x136xf32, #tpu.memory_space<vmem_shared>> -> memref<624x136xf32, #tpu.memory_space<vmem_shared>>
      tpu.enqueue_dma source(%dma_start3A_42 : memref<624x136xf32, #tpu.memory_space<vmem_shared>>) target(%dma_start3A_40 : memref<624x136xf32, #tpu.memory_space<hbm>>) target_semaphore(%run_scoped3A_37 : memref<!tpu.dma_semaphore, #tpu.memory_space<semaphore_mem>>)
      %dma_wait3A = arith.constant 0 : i32
      %dma_wait3A_43 = tpu.memref_slice %arg7[%arg0, %mul3A_31, %dma_wait3A] : memref<2x10000x136xf32, #tpu.memory_space<hbm>> -> memref<1x624x136xf32, #tpu.memory_space<hbm>>
      %dma_wait3A_44 = tpu.memref_squeeze %dma_wait3A_43 : memref<1x624x136xf32, #tpu.memory_space<hbm>> -> memref<624x136xf32, #tpu.memory_space<hbm>>
      %dma_wait3A_45 = arith.constant 0 : i32
      %dma_wait3A_46 = tpu.memref_slice %arg8[%mul3A_29, %dma_wait3A_45] : memref<10000x136xf32, #tpu.memory_space<vmem_shared>> -> memref<624x136xf32, #tpu.memory_space<vmem_shared>>
      tpu.wait_dma2 semaphore(%run_scoped3A_37 : memref<!tpu.dma_semaphore, #tpu.memory_space<semaphore_mem>>) src(%dma_wait3A_46 : memref<624x136xf32, #tpu.memory_space<vmem_shared>>) dst(%dma_wait3A_44 : memref<624x136xf32, #tpu.memory_space<hbm>>)
      tpu.yield
    }) : () -> ()
    %eq3A_32 = arith.constant 15 : i32
    %eq3A_33 = arith.cmpi eq, %arg1, %eq3A_32 : i32
    %convert_element_type3A_34 = arith.extui %eq3A_33 : i1 to i32
    %cond3A_35 = arith.constant 0 : i32
    %cond3A_36 = arith.cmpi ne, %convert_element_type3A_34, %cond3A_35 : i32
    scf.if %cond3A_36 {
      "tpu.region"() ({
        %run_scoped3A_37 = tpu.sem_alloc : memref<!tpu.dma_semaphore, #tpu.memory_space<semaphore_mem>>
        %dma_start3A_38 = arith.constant 9984 : i32
        %dma_start3A_39 = arith.constant 0 : i32
        %dma_start3A_40 = tpu.memref_slice %arg7[%arg0, %dma_start3A_38, %dma_start3A_39] : memref<2x10000x136xf32, #tpu.memory_space<hbm>> -> memref<1x16x136xf32, #tpu.memory_space<hbm>>
        %dma_start3A_41 = tpu.memref_squeeze %dma_start3A_40 : memref<1x16x136xf32, #tpu.memory_space<hbm>> -> memref<16x136xf32, #tpu.memory_space<hbm>>
        %dma_start3A_42 = arith.constant 9984 : i32
        %dma_start3A_43 = arith.constant 0 : i32
        %dma_start3A_44 = tpu.memref_slice %arg8[%dma_start3A_42, %dma_start3A_43] : memref<10000x136xf32, #tpu.memory_space<vmem_shared>> -> memref<16x136xf32, #tpu.memory_space<vmem_shared>>
        tpu.enqueue_dma source(%dma_start3A_44 : memref<16x136xf32, #tpu.memory_space<vmem_shared>>) target(%dma_start3A_41 : memref<16x136xf32, #tpu.memory_space<hbm>>) target_semaphore(%run_scoped3A_37 : memref<!tpu.dma_semaphore, #tpu.memory_space<semaphore_mem>>)
        %dma_wait3A = arith.constant 9984 : i32
        %dma_wait3A_45 = arith.constant 0 : i32
        %dma_wait3A_46 = tpu.memref_slice %arg7[%arg0, %dma_wait3A, %dma_wait3A_45] : memref<2x10000x136xf32, #tpu.memory_space<hbm>> -> memref<1x16x136xf32, #tpu.memory_space<hbm>>
        %dma_wait3A_47 = tpu.memref_squeeze %dma_wait3A_46 : memref<1x16x136xf32, #tpu.memory_space<hbm>> -> memref<16x136xf32, #tpu.memory_space<hbm>>
        %dma_wait3A_48 = arith.constant 9984 : i32
        %dma_wait3A_49 = arith.constant 0 : i32
        %dma_wait3A_50 = tpu.memref_slice %arg8[%dma_wait3A_48, %dma_wait3A_49] : memref<10000x136xf32, #tpu.memory_space<vmem_shared>> -> memref<16x136xf32, #tpu.memory_space<vmem_shared>>
        tpu.wait_dma2 semaphore(%run_scoped3A_37 : memref<!tpu.dma_semaphore, #tpu.memory_space<semaphore_mem>>) src(%dma_wait3A_50 : memref<16x136xf32, #tpu.memory_space<vmem_shared>>) dst(%dma_wait3A_47 : memref<16x136xf32, #tpu.memory_space<hbm>>)
        tpu.yield
      }) : () -> ()
    } else {
    }
    return
  }
}

module attributes {stable_mosaic.version = 14 : i64} {
  func.func @_tc1_body(%arg0: memref<10000x128xf32, #tpu.memory_space<vmem>>, %arg1: memref<128x128xf32, #tpu.memory_space<vmem>>, %arg2: memref<128x8xf32, #tpu.memory_space<vmem>>, %arg3: memref<128x8xf32, #tpu.memory_space<vmem>>, %arg4: memref<10000x136xf32, #tpu.memory_space<vmem>>, %arg5: memref<10000x16xf32, #tpu.memory_space<vmem>>) attributes {dimension_semantics = [], scalar_prefetch = 0 : i64, scratch_operands = 0 : i64, tpu.core_type = #tpu.core_type<tc>} {
    %get3A = arith.constant 0 : index
    %get3A_0 = arith.constant 0 : index
    %get3A_1 = vector.load %arg0[%get3A, %get3A_0] : memref<10000x128xf32, #tpu.memory_space<vmem>>, vector<10000x128xf32>
    %get3A_2 = arith.constant 0 : index
    %get3A_3 = arith.constant 0 : index
    %get3A_4 = vector.load %arg1[%get3A_2, %get3A_3] : memref<128x128xf32, #tpu.memory_space<vmem>>, vector<128x128xf32>
    %dot_general3A = arith.constant dense<0.000000e+00> : vector<10000x128xf32>
    %dot_general3A_5 = tpu.matmul %get3A_1, %get3A_4, %dot_general3A {dimension_numbers = #tpu.dot_dimension_numbers<[1], [0], [0], [1], [0, 0, 1, 1], [], []>, transpose_lhs_hint = false} : vector<10000x128xf32>, vector<128x128xf32>, vector<10000x128xf32> -> vector<10000x128xf32>
    %get3A_6 = arith.constant 0 : index
    %get3A_7 = arith.constant 0 : index
    %get3A_8 = vector.load %arg2[%get3A_6, %get3A_7] : memref<128x8xf32, #tpu.memory_space<vmem>>, vector<128x8xf32>
    %dot_general3A_9 = arith.constant dense<0.000000e+00> : vector<10000x8xf32>
    %dot_general3A_10 = tpu.matmul %dot_general3A_5, %get3A_8, %dot_general3A_9 {dimension_numbers = #tpu.dot_dimension_numbers<[1], [0], [0], [1], [0, 0, 1, 1], [], []>, transpose_lhs_hint = false} : vector<10000x128xf32>, vector<128x8xf32>, vector<10000x8xf32> -> vector<10000x8xf32>
    %get3A_11 = arith.constant 0 : index
    %get3A_12 = arith.constant 0 : index
    %get3A_13 = vector.load %arg3[%get3A_11, %get3A_12] : memref<128x8xf32, #tpu.memory_space<vmem>>, vector<128x8xf32>
    %dot_general3A_14 = arith.constant dense<0.000000e+00> : vector<10000x8xf32>
    %dot_general3A_15 = tpu.matmul %dot_general3A_5, %get3A_13, %dot_general3A_14 {dimension_numbers = #tpu.dot_dimension_numbers<[1], [0], [0], [1], [0, 0, 1, 1], [], []>, transpose_lhs_hint = false} : vector<10000x128xf32>, vector<128x8xf32>, vector<10000x8xf32> -> vector<10000x8xf32>
    %concatenate3A = tpu.concatenate %dot_general3A_5, %dot_general3A_10 in 1 : vector<10000x128xf32>, vector<10000x8xf32> -> vector<10000x136xf32>
    %swap3A = arith.constant 0 : index
    %swap3A_16 = arith.constant 0 : index
    %swap3A_17 = vector.load %arg4[%swap3A, %swap3A_16] : memref<10000x136xf32, #tpu.memory_space<vmem>>, vector<10000x136xf32>
    tpu.vector_store %arg4[%swap3A, %swap3A_16], %concatenate3A {strides = array<i32>} : memref<10000x136xf32, #tpu.memory_space<vmem>>, vector<10000x136xf32>,
    %concatenate3A_18 = tpu.concatenate %dot_general3A_15, %dot_general3A_15 in 1 : vector<10000x8xf32>, vector<10000x8xf32> -> vector<10000x16xf32>
    %swap3A_19 = arith.constant 0 : index
    %swap3A_20 = arith.constant 0 : index
    %swap3A_21 = vector.load %arg5[%swap3A_19, %swap3A_20] : memref<10000x16xf32, #tpu.memory_space<vmem>>, vector<10000x16xf32>
    tpu.vector_store %arg5[%swap3A_19, %swap3A_20], %concatenate3A_18 {strides = array<i32>} : memref<10000x16xf32, #tpu.memory_space<vmem>>, vector<10000x16xf32>,
    return
  }
}

module attributes {stable_mosaic.version = 14 : i64} {
  func.func @_tc2_body(%arg0: memref<2x10000x136xf32, #tpu.memory_space<vmem>>, %arg1: memref<1x128xf32, #tpu.memory_space<vmem>>, %arg2: memref<128x3xf32, #tpu.memory_space<vmem>>, %arg3: memref<128x1xf32, #tpu.memory_space<vmem>>, %arg4: memref<128x1xf32, #tpu.memory_space<vmem>>, %arg5: memref<8x128xf32, #tpu.memory_space<vmem>>, %arg6: memref<10000x8xf32, #tpu.memory_space<vmem>>) attributes {dimension_semantics = [], scalar_prefetch = 0 : i64, scratch_operands = 0 : i64, tpu.core_type = #tpu.core_type<tc>} {
    %get3A = arith.constant 0 : index
    %get3A_0 = arith.constant 0 : index
    %get3A_1 = arith.constant 0 : index
    %get3A_2 = vector.load %arg0[%get3A, %get3A_0, %get3A_1] : memref<2x10000x136xf32, #tpu.memory_space<vmem>>, vector<1x10000x136xf32>
    %get3A_3 = vector.shape_cast %get3A_2 : vector<1x10000x136xf32> to vector<10000x136xf32>
    %get3A_4 = arith.constant 1 : index
    %get3A_5 = arith.constant 0 : index
    %get3A_6 = arith.constant 0 : index
    %get3A_7 = vector.load %arg0[%get3A_4, %get3A_5, %get3A_6] : memref<2x10000x136xf32, #tpu.memory_space<vmem>>, vector<1x10000x136xf32>
    %get3A_8 = vector.shape_cast %get3A_7 : vector<1x10000x136xf32> to vector<10000x136xf32>
    %add3A = arith.addf %get3A_3, %get3A_8 : vector<10000x136xf32>
    %slice3A = vector.extract_strided_slice %add3A {offsets = [0, 128], sizes = [10000, 8], strides = [1, 1]} : vector<10000x136xf32> to vector<10000x8xf32>
    %get3A_9 = arith.constant 0 : index
    %get3A_10 = arith.constant 0 : index
    %get3A_11 = vector.load %arg5[%get3A_9, %get3A_10] : memref<8x128xf32, #tpu.memory_space<vmem>>, vector<8x128xf32>
    %dot_general3A = arith.constant dense<0.000000e+00> : vector<10000x128xf32>
    %dot_general3A_12 = tpu.matmul %slice3A, %get3A_11, %dot_general3A {dimension_numbers = #tpu.dot_dimension_numbers<[1], [0], [0], [1], [0, 0, 1, 1], [], []>, transpose_lhs_hint = false} : vector<10000x8xf32>, vector<8x128xf32>, vector<10000x128xf32> -> vector<10000x128xf32>
    %slice3A_13 = vector.extract_strided_slice %add3A {offsets = [0, 0], sizes = [10000, 128], strides = [1, 1]} : vector<10000x136xf32> to vector<10000x128xf32>
    %add3A_14 = arith.constant 9.99999971E-10 : f32
    %add3A_15 = vector.broadcast %add3A_14 : f32 to vector<10000x128xf32>
    %add3A_16 = arith.addf %dot_general3A_12, %add3A_15 : vector<10000x128xf32>
    %div3A = arith.divf %slice3A_13, %add3A_16 : vector<10000x128xf32>
    %get3A_17 = arith.constant 0 : index
    %get3A_18 = arith.constant 0 : index
    %get3A_19 = vector.load %arg1[%get3A_17, %get3A_18] : memref<1x128xf32, #tpu.memory_space<vmem>>, vector<1x128xf32>
    %add3A_20 = vector.broadcast %get3A_19 : vector<1x128xf32> to vector<10000x128xf32>
    %add3A_21 = arith.addf %div3A, %add3A_20 : vector<10000x128xf32>
    %gt3A = arith.constant 0.000000e+00 : f32
    %gt3A_22 = vector.broadcast %gt3A : f32 to vector<10000x128xf32>
    %gt3A_23 = arith.cmpf ogt, %add3A_21, %gt3A_22 : vector<10000x128xf32>
    %exp3A = math.exp %add3A_21 : vector<10000x128xf32>
    %sub3A = arith.constant 1.000000e+00 : f32
    %sub3A_24 = vector.broadcast %sub3A : f32 to vector<10000x128xf32>
    %sub3A_25 = arith.subf %exp3A, %sub3A_24 : vector<10000x128xf32>
    %select_n3A = arith.select %gt3A_23, %add3A_21, %sub3A_25 : vector<10000x128xi1>, vector<10000x128xf32>
    %get3A_26 = arith.constant 0 : index
    %get3A_27 = arith.constant 0 : index
    %get3A_28 = vector.load %arg2[%get3A_26, %get3A_27] : memref<128x3xf32, #tpu.memory_space<vmem>>, vector<128x3xf32>
    %dot_general3A_29 = arith.constant dense<0.000000e+00> : vector<10000x3xf32>
    %dot_general3A_30 = tpu.matmul %select_n3A, %get3A_28, %dot_general3A_29 {dimension_numbers = #tpu.dot_dimension_numbers<[1], [0], [0], [1], [0, 0, 1, 1], [], []>, transpose_lhs_hint = false} : vector<10000x128xf32>, vector<128x3xf32>, vector<10000x3xf32> -> vector<10000x3xf32>
    %get3A_31 = arith.constant 0 : index
    %get3A_32 = arith.constant 0 : index
    %get3A_33 = vector.load %arg3[%get3A_31, %get3A_32] : memref<128x1xf32, #tpu.memory_space<vmem>>, vector<128x1xf32>
    %dot_general3A_34 = arith.constant dense<0.000000e+00> : vector<10000x1xf32>
    %dot_general3A_35 = tpu.matmul %select_n3A, %get3A_33, %dot_general3A_34 {dimension_numbers = #tpu.dot_dimension_numbers<[1], [0], [0], [1], [0, 0, 1, 1], [], []>, transpose_lhs_hint = false} : vector<10000x128xf32>, vector<128x1xf32>, vector<10000x1xf32> -> vector<10000x1xf32>
    %get3A_36 = arith.constant 0 : index
    %get3A_37 = arith.constant 0 : index
    %get3A_38 = vector.load %arg4[%get3A_36, %get3A_37] : memref<128x1xf32, #tpu.memory_space<vmem>>, vector<128x1xf32>
    %dot_general3A_39 = arith.constant dense<0.000000e+00> : vector<10000x1xf32>
    %dot_general3A_40 = tpu.matmul %select_n3A, %get3A_38, %dot_general3A_39 {dimension_numbers = #tpu.dot_dimension_numbers<[1], [0], [0], [1], [0, 0, 1, 1], [], []>, transpose_lhs_hint = false} : vector<10000x128xf32>, vector<128x1xf32>, vector<10000x1xf32> -> vector<10000x1xf32>
    %broadcast_in_dim3A = arith.constant 0.000000e+00 : f32
    %broadcast_in_dim3A_41 = vector.broadcast %broadcast_in_dim3A : f32 to vector<10000x3xf32>
    %concatenate3A = tpu.concatenate %dot_general3A_35, %dot_general3A_40, %dot_general3A_30, %broadcast_in_dim3A_41 in 1 : vector<10000x1xf32>, vector<10000x1xf32>, vector<10000x3xf32>, vector<10000x3xf32> -> vector<10000x8xf32>
    %swap3A = arith.constant 0 : index
    %swap3A_42 = arith.constant 0 : index
    %swap3A_43 = vector.load %arg6[%swap3A, %swap3A_42] : memref<10000x8xf32, #tpu.memory_space<vmem>>, vector<10000x8xf32>
    tpu.vector_store %arg6[%swap3A, %swap3A_42], %concatenate3A {strides = array<i32>} : memref<10000x8xf32, #tpu.memory_space<vmem>>, vector<10000x8xf32>,
    return
  }
}

module attributes {stable_mosaic.version = 14 : i64} {
  func.func @_tc3_body(%arg0: memref<2x10000x16xf32, #tpu.memory_space<vmem>>, %arg1: memref<1x3xf32, #tpu.memory_space<vmem>>, %arg2: memref<10000x3xf32, #tpu.memory_space<vmem>>) attributes {dimension_semantics = [], scalar_prefetch = 0 : i64, scratch_operands = 0 : i64, tpu.core_type = #tpu.core_type<tc>} {
    %get3A = arith.constant 0 : index
    %get3A_0 = arith.constant 0 : index
    %get3A_1 = arith.constant 0 : index
    %get3A_2 = vector.load %arg0[%get3A, %get3A_0, %get3A_1] : memref<2x10000x16xf32, #tpu.memory_space<vmem>>, vector<1x10000x16xf32>
    %get3A_3 = vector.shape_cast %get3A_2 : vector<1x10000x16xf32> to vector<10000x16xf32>
    %get3A_4 = arith.constant 1 : index
    %get3A_5 = arith.constant 0 : index
    %get3A_6 = arith.constant 0 : index
    %get3A_7 = vector.load %arg0[%get3A_4, %get3A_5, %get3A_6] : memref<2x10000x16xf32, #tpu.memory_space<vmem>>, vector<1x10000x16xf32>
    %get3A_8 = vector.shape_cast %get3A_7 : vector<1x10000x16xf32> to vector<10000x16xf32>
    %add3A = arith.addf %get3A_3, %get3A_8 : vector<10000x16xf32>
    %slice3A = vector.extract_strided_slice %add3A {offsets = [0, 3], sizes = [10000, 1], strides = [1, 1]} : vector<10000x16xf32> to vector<10000x1xf32>
    %broadcast_in_dim3A = arith.constant 1.000000e+00 : f32
    %broadcast_in_dim3A_9 = vector.broadcast %broadcast_in_dim3A : f32 to vector<1x16xf32>
    %dot_general3A = arith.constant dense<0.000000e+00> : vector<10000x16xf32>
    %dot_general3A_10 = tpu.matmul %slice3A, %broadcast_in_dim3A_9, %dot_general3A {dimension_numbers = #tpu.dot_dimension_numbers<[1], [0], [0], [1], [0, 0, 1, 1], [], []>, transpose_lhs_hint = false} : vector<10000x1xf32>, vector<1x16xf32>, vector<10000x16xf32> -> vector<10000x16xf32>
    %slice3A_11 = vector.extract_strided_slice %add3A {offsets = [0, 0], sizes = [10000, 3], strides = [1, 1]} : vector<10000x16xf32> to vector<10000x3xf32>
    %slice3A_12 = vector.extract_strided_slice %dot_general3A_10 {offsets = [0, 0], sizes = [10000, 3], strides = [1, 1]} : vector<10000x16xf32> to vector<10000x3xf32>
    %add3A_13 = arith.constant 9.99999971E-10 : f32
    %add3A_14 = vector.broadcast %add3A_13 : f32 to vector<10000x3xf32>
    %add3A_15 = arith.addf %slice3A_12, %add3A_14 : vector<10000x3xf32>
    %div3A = arith.divf %slice3A_11, %add3A_15 : vector<10000x3xf32>
    %get3A_16 = arith.constant 0 : index
    %get3A_17 = arith.constant 0 : index
    %get3A_18 = vector.load %arg1[%get3A_16, %get3A_17] : memref<1x3xf32, #tpu.memory_space<vmem>>, vector<1x3xf32>
    %add3A_19 = vector.broadcast %get3A_18 : vector<1x3xf32> to vector<10000x3xf32>
    %add3A_20 = arith.addf %div3A, %add3A_19 : vector<10000x3xf32>
    %swap3A = arith.constant 0 : index
    %swap3A_21 = arith.constant 0 : index
    %swap3A_22 = vector.load %arg2[%swap3A, %swap3A_21] : memref<10000x3xf32, #tpu.memory_space<vmem>>, vector<10000x3xf32>
    tpu.vector_store %arg2[%swap3A, %swap3A_21], %add3A_20 {strides = array<i32>} : memref<10000x3xf32, #tpu.memory_space<vmem>>, vector<10000x3xf32>,
    return
  }
}

</mosaic_0001>

<sc_bundles>
// kernel: kernel.10.cloned.1.call-start
scs
__scs_entry_jumppad:
0x0: {  	(pc) =	sbr.rel $0x88, $3  }
0x1: {  	(tag) =	ssettag $0x0;
	lr =	simm.s32 $0x1  }
0x2: {  	[smem:$0x3F97] =	sst lr;
	_ =	strace $0xD0000000  }
0x3: {  	_ = 	snop  }
0x4: {  	_ = 	snop  }
0x5: {  	_ = 	snop  }
0x6: {  	_ = 	snop  }
0x7: {  	_ = 	snop  }
__scs_overlays_trampoline_lowered:
0x8: {  	[smem:$0x3FA6] =	sst s0  }
0x9: {  	[smem:$0x3FA7] =	sst s1  }
0xa: {  	[smem:$0x3FA8] =	sst s2  }
0xb: {  	[smem:$0x3FA9] =	sst s3  }
0xc: {  	[smem:$0x3FAA] =	sst s4  }
0xd: {  	[smem:$0x3FAB] =	sst s5  }
0xe: {  	[smem:$0x3FAC] =	sst s6  }
0xf: {  	[smem:$0x3FAD] =	sst s7  }
0x10: {  	[smem:$0x3FAE] =	sst s8  }
0x11: {  	[smem:$0x3FAF] =	sst s9;
	s0 =	simm.s32 @!p0 $0x0  }
0x12: {  	s1 =	sld [smem:$0x3F95];
	s0 =	simm.s32 @p0 $0x1  }
0x13: {  	[smem:$0x3FB0] =	sst s0;
	s0 =	simm.s32 @!p1 $0x0  }
0x14: {  	s2 =	sld [smem:$0x3F94];
	s0 =	simm.s32 @p1 $0x1  }
0x15: {  	[smem:$0x3FB1] =	sst s0;
	s0 =	simm.s32 @!p2 $0x0  }
0x16: {  	s3 =	sld [smem:$0x3FDB];
	s0 =	simm.s32 @p2 $0x1  }
0x17: {  	s4 =	simm.s32 $0x1BF5;
	[smem:$0x3FB3] =	sst s0  }
0x18: {  	s0 =	sld [smem:$0x3F96];
	_ =	swait.ge [sflag:s4], $0x0  }
0x19: {  	s7 =	sld [smem:$0x3F97]  }
0x1a: {  	s8 =	sadd.s32 $0xFFFFE003, lr  }
0x1b: {  	s9 =	sadd.s32 $0xFFFFFEF7, lr;
	s5 =	simm.s32 $0xFFFFFFFF;
	p2 =	slt.u32 s8, $0xFFFFF086  }
0x1c: {  	p1 =	slt.u32 s9, $0xF7A;
	s5 =	simm.s32 @!p2 $0x0  }
0x1d: {  	s5 =	simm.s32 @p1 $0x1;
	p0 =	seq.s32 s7, s2  }
0x1e: {  	s7 =	smul.u32 @!p0 $0xF7A, s2;
	p2 =	seq.s32 @!p0 s5, $0x0  }
0x1f: {  	s9 =	smul.u32 $0xF7A, s1;
	s8 =	simm.s32 @!p0 $0x1BF5;
	p2 =	por !p2, p0  }
0x20: {  	[sflag:s8] =	ssyncset.s32 @!p0 $0xFFFFF086;
	s6 =	sadd.s32 @!p0 s3, s7;
	s7 =	simm.s32 @!p0 $0x108  }
0x21: {  	s3 =	sadd.s32 s3, s9;
	s6 =	sadd.s32 @!p0 $0x88, s6;
	s7 =	simm.s32 @p2 $0x1082  }
0x22: {  	[simem:s7], [sflag:s8] =	dma.local @!p0 [hbm:s6], $0xF7A  }
0x23: {  	s9 =	sor.u32 $0xD0000000, s2;
	s6 =	simm.s32 $0x108;
	_ =	swait.ge @!p0 [sflag:s8], $0x0  }
0x24: {  	s3 =	sadd.s32 $0x88, s3;
	s6 =	simm.s32 @!p1 $0x1082;
	[sflag:s4] =	ssyncset.s32 $0xFFFFF086  }
0x25: {  	[simem:s6], [sflag:s4] =	dma.local [hbm:s3], $0xF7A  }
0x26: {  	[smem:$0x3F97] =	sst s1;
	(tag) =	ssettag s2;
	_ =	strace s9  }
0x27: {  	s1 =	sld [smem:$0x3FA7]  }
0x28: {  	s2 =	sld [smem:$0x3FA8]  }
0x29: {  	s4 =	sld [smem:$0x3FAA]  }
0x2a: {  	p0 =	seq.s32 s5, $0x0;
	s5 =	sld [smem:$0x3FAB]  }
0x2b: {  	s6 =	sld [smem:$0x3FAC]  }
0x2c: {  	s7 =	sld [smem:$0x3FAD]  }
0x2d: {  	s3 =	simm.s32 $0x108;
	s8 =	sld [smem:$0x3FAE]  }
0x2e: {  	s3 =	simm.s32 @!p0 $0x1082;
	s9 =	sld [smem:$0x3FAF]  }
0x2f: {  	lr =	sadd.s32 s0, s3;
	s0 =	sld [smem:$0x3FA6]  }
0x30: {  	s3 =	sld [smem:$0x3FA9]  }
0x31: {  	[smem:$0x3FB2] =	sst s10  }
0x32: {  	s10 =	sld [smem:$0x3FB0];
	_ =	sdelay $0x3  }
0x33: {  	p0 =	seq.s32 s10, $0x1;
	s10 =	sld [smem:$0x3FB2];
	_ =	sdelay $0x3  }
0x34: {  	[smem:$0x3FB2] =	sst s10  }
0x35: {  	s10 =	sld [smem:$0x3FB1];
	_ =	sdelay $0x3  }
0x36: {  	p1 =	seq.s32 s10, $0x1;
	s10 =	sld [smem:$0x3FB2];
	_ =	sdelay $0x3  }
0x37: {  	[smem:$0x3FB2] =	sst s10  }
0x38: {  	s10 =	sld [smem:$0x3FB3]  }
0x39: {  	_ = 	snop;
	(pc) =	sbr.ind lr, $3  }
0x3a: {  	_ = 	snop  }
0x3b: {  	_ = 	snop  }
0x3c: {  	p2 =	seq.s32 s10, $0x1;
	s10 =	sld [smem:$0x3FB2]  }
0x3d: {  	_ =	shalt  }
0x3e: {  	_ =	shalt  }
0x3f: {  	_ =	shalt  }
0x40: {  	_ =	shalt  }
0x41: {  	_ =	shalt  }
0x42: {  	_ =	shalt  }
0x43: {  	_ =	shalt  }
0x44: {  	_ =	shalt  }
0x45: {  	_ =	shalt  }
0x46: {  	_ =	shalt  }
0x47: {  	_ =	shalt  }
0x48: {  	_ =	shalt  }
0x49: {  	_ =	shalt  }
0x4a: {  	_ =	shalt  }
0x4b: {  	_ =	shalt  }
0x4c: {  	_ =	shalt  }
0x4d: {  	_ =	shalt  }
0x4e: {  	_ =	shalt  }
0x4f: {  	_ =	shalt  }
0x50: {  	_ =	shalt  }
0x51: {  	_ =	shalt  }
0x52: {  	_ =	shalt  }
0x53: {  	_ =	shalt  }
0x54: {  	_ =	shalt  }
0x55: {  	_ =	shalt  }
0x56: {  	_ =	shalt  }
0x57: {  	_ =	shalt  }
0x58: {  	_ =	shalt  }
0x59: {  	_ =	shalt  }
0x5a: {  	_ =	shalt  }
0x5b: {  	_ =	shalt  }
0x5c: {  	_ =	shalt  }
0x5d: {  	_ =	shalt  }
0x5e: {  	_ =	shalt  }
0x5f: {  	_ =	shalt  }
0x60: {  	_ =	shalt  }
0x61: {  	_ =	shalt  }
0x62: {  	_ =	shalt  }
0x63: {  	_ =	shalt  }
0x64: {  	_ =	shalt  }
0x65: {  	_ =	shalt  }
0x66: {  	_ =	shalt  }
0x67: {  	_ =	shalt  }
0x68: {  	_ =	shalt  }
0x69: {  	_ =	shalt  }
0x6a: {  	_ =	shalt  }
0x6b: {  	_ =	shalt  }
0x6c: {  	_ =	shalt  }
0x6d: {  	_ =	shalt  }
0x6e: {  	_ =	shalt  }
0x6f: {  	_ =	shalt  }
0x70: {  	_ =	shalt  }
0x71: {  	_ =	shalt  }
0x72: {  	_ =	shalt  }
0x73: {  	_ =	shalt  }
0x74: {  	_ =	shalt  }
0x75: {  	_ =	shalt  }
0x76: {  	_ =	shalt  }
0x77: {  	_ =	shalt  }
0x78: {  	_ =	shalt  }
0x79: {  	_ =	shalt  }
0x7a: {  	_ =	shalt  }
0x7b: {  	_ =	shalt  }
0x7c: {  	_ =	shalt  }
0x7d: {  	_ =	shalt  }
0x7e: {  	_ =	shalt  }
0x7f: {  	_ =	shalt  }
0x80: {  	_ =	shalt  }
0x81: {  	_ =	shalt  }
0x82: {  	_ =	shalt  }
0x83: {  	_ =	shalt  }
0x84: {  	_ =	shalt  }
0x85: {  	_ =	shalt  }
0x86: {  	_ =	shalt  }
0x87: {  	_ =	shalt  }
.Lfunc_end0:
.L_simem_size_0:
called_computation.1_lowered:
.L_overlay_start_0:
0x88: {  	s2 =	sld [smem:$0x3FD9]  }
0x89: {  	s3 =	sld [smem:$0x3FFE];
	_ =	sdelay $0x1  }
0x8a: {  	s1 =	srdreg.scid  }
0x8b: {  	s0 =	sand.u32 $0x1, s1  }
0x8c: {  	s16 =	sshll.u32 s0, $0xA;
	s2 =	sadd.s32 s3, s2  }
0x8d: {  	s2 =	sadd.s32 s2, s16  }
0x8e: {  	[smem:$0x3FBE] =	sst s2  }
0x8f: {  	_ = 	snop  }
0x90: {  	(tm) =	ssettm $0x1  }
0x91: {  	s17 =	sld [smem:$0x3FFB];
	_ =	sdelay $0x3  }
0x92: {  	_ =	strace s17  }
0x93: {  	s2 =	sld [smem:$0x3FFC];
	_ =	sdelay $0x3  }
0x94: {  	_ =	strace s2  }
0x95: {  	s2 =	sld [smem:$0x3FFD];
	_ =	sdelay $0x3  }
0x96: {  	_ =	strace s2  }
0x97: {  	_ =	strace $0x8FFFFFFF  }
0x98: {  	s18 =	sld [smem:$0x3FDB];
	_ =	sdelay $0x1  }
0x99: {  	s19 =	simm.s32 $_scs_section_size  }
0x9a: {  	s4 =	simm.s32 $_size__tile_overlayer_lowered;
	s5 =	simm.s32 $_tile_overlayer_lowered  }
0x9b: {  	s22 =	simm.s32 $0x1BFF;
	s21 =	sshll.u32 s5, $0x1;
	s2 =	sadd.s32 s19, s18  }
0x9c: {  	s6 =	simm.s32 $0x0;
	s20 =	sshll.u32 s4, $0x1;
	s4 =	sadd.s32 s21, s2  }
0x9d: {  	[timem:s6], [sflag:s22] =	dma.local [hbm:s4], s20  }
0x9e: {  	_ =	swait.ge [sflag:s22], s20  }
0x9f: {  	s3 =	ssub.s32 $0x0, s20;
	[sflag:s22] =	ssyncset.done $0x0  }
0xa0: {  	[sflag:s22] =	ssyncadd.s32 s3;
	_ =	sdelay $0x1  }
0xa1: {  	s23 =	simm.s32 $0x1B8B  }
0xa2: {  	_ =	swait.ge [sflag:s23], $0x1  }
0xa3: {  	[sflag:s23] =	ssyncset.done $0x0  }
0xa4: {  	s25 =	simm.s32 $0x1B8E;
	s24 =	sld [smem:$0x3FFE];
	[sflag:s23] =	ssyncadd.s32 $0xFFFFFFFF  }
0xa5: {  	s26 =	simm.s32 $execute0_lowered;
	[smem:$0x3FD2] =	sst s25  }
0xa6: {  	s4 =	sshll.u32 s26, $0x1;
	_ =	strace $0x80000049;
	[dreg:$0x1] =	wrdreg $0xFFFFFFFF  }
0xa7: {  	s28 =	simm.s32 $_size_execute0_lowered;
	s2 =	sadd.s32 s2, s4;
	[dreg:$0x0] =	wrdreg $0x0  }
0xa8: {  	s4 =	sshll.u32 s28, $0x1;
	[dreg:$0x2] =	wrdreg s2  }
0xa9: {  	[dreg:$0x3] =	wrdreg s4  }
0xaa: {  	[dreg:$0x4] =	wrdreg $0xC0  }
0xab: {  	_ =	task [dreg:s6], $0x5FFFF  }
0xac: {  	[dreg:$0x1] =	wrdreg $0xFFFFFFFF  }
0xad: {  	[dreg:$0x0] =	wrdreg $0x60  }
0xae: {  	[dreg:$0x2] =	wrdreg s24  }
0xaf: {  	[dreg:$0x3] =	wrdreg $0x0  }
0xb0: {  	[dreg:$0x4] =	wrdreg $0x9  }
0xb1: {  	_ =	task.clear_ibuf [dreg:s6], $0x5FFFF;
	_ =	strace $0x90000049  }
0xb2: {  	s29 =	simm.s32 $0x9;
	_ =	strace $0x8000004B  }
0xb3: {  	_ =	swait.ge [sflag:s29], $0x1  }
0xb4: {  	[sflag:s29] =	ssyncadd.s32 $0xFFFFFFFF  }
0xb5: {  	_ =	strace $0x9000004B  }
0xb6: {  	_ =	sfence  }
0xb7: {  	s30 =	sld [smem:$0x0];
	_ =	sdelay $0x2  }
0xb8: {  	s31 =	sshll.u32 s1, $0xD;
	s1 =	sshrl.u32 s1, $0x2  }
0xb9: {  	s3 =	sand.u32 $0x4000, s31;
	s1 =	sadd.s32 s1, s30  }
0xba: {  	s0 =	sor.u32 s3, s0;
	s1 =	sshll.u32 s1, $0x11  }
0xbb: {  	s0 =	sor.u32 s1, s0  }
0xbc: {  	s0 =	sadd.s32 $0x8F2B, s0  }
0xbd: {  	[sflag:s0] =	ssyncadd.remote.s32 $0x1  }
0xbe: {  	_ =	sfence.sel $0xFFFF  }
0xbf: {  	[dreg:$0x0] =	wrdreg $0xFFFFFFFF;
	(pc) =	sbr.abs _section_cstart, $3  }
0xc0: {  	[dreg:$0x1] =	wrdreg $0xFFFFFFFF  }
0xc1: {  	_ =	task.clear_ibuf [dreg:s6], $0x2FFFF;
	_ =	strace $0x9FFFFFFF  }
0xc2: {  	(tm) =	ssettm $0x7FFFFFFF  }
0xc3: {  	_ =	shalt  }
tec
execute0_lowered:
.L_overlay_start_1:
0x0: {  	(tag) =	ssettag $0x1  }
0x1: {  	s7 =	rddreg [dreg:$0x0]  }
0x2: {  	s0 =	srdreg.scid;
	s2 =	rddreg [dreg:$0x1]  }
0x3: {  	s3 =	simm.s32 $0x0;
	s16 =	simm.s32 $0x2710;
	s17 =	simm.s32 $0x15F90  }
0x4: {  	s18 =	simm.s32 $0x186A0;
	s19 =	simm.s32 $0x1ADB0;
	s20 =	simm.s32 $0x50  }
0x5: {  	s21 =	simm.s32 $0x1B2B0;
	s22 =	simm.s32 $0x1;
	s23 =	simm.s32 $0x2  }
0x6: {  	s24 =	simm.s32 $0x1AD60;
	s25 =	simm.s32 $0x0;
	s5 =	sand.u32 $0x1, s0  }
0x7: {  	s0 =	stileid.u32;
	[smem:$0x7FF] =	sst s3;
	s12 =	sadd.s32 $0x9200, s7  }
0x8: {  	s15 =	sadd.s32 $0x27000, s2;
	s1 =	sshll.u32 s5, $0x4;
	s8 =	smul.u32 $0x2700, s0  }
0x9: {  	v0 =	vlaneseq.u32;
	s6 =	ssub.s32 $0x2, s5;
	s29 =	sshll.u32 s0, $0x6;
	s30 =	smul.u32 $0x27100, s5  }
0xa: {  	v0 =	vmul.u32 $0x10, v0;
	p0 =	sne.s32 s0, $0xF;
	s4 =	sor.u32 s0, s1;
	s1 =	rddreg [dreg:$0x2]  }
0xb: {  	_ =	strace $0x8000004A;
	s11 =	sshrl.u32 s6, $0x1;
	s15 =	sshrl.u32 @!p0 s15, $0x3  }
0xc: {  	v1 =	vor.u32 $0x1, v0;
	s4 =	smul.u32 $0x4E2, s4;
	s10 =	sshrl.u32 s8, $0x3;
	s13 =	ssub.s32 s6, s11  }
0xd: {  	v2 =	vor.u32 $0x2, v0;
	v3 =	vor.u32 $0x3, v0;
	v4 =	vor.u32 $0x100, v0;
	s14 =	sadd.s32 s8, s2;
	s6 =	sor.u32 $0x1C03, s29;
	s11 =	sshrl.u32 s30, $0x3  }
0xe: {  	v5 =	vor.u32 $0x101, v0;
	v6 =	vor.u32 $0x102, v0;
	v7 =	vor.u32 $0x103, v0;
	s31 =	sadd.s32 s8, s30;
	s10 =	sadd.s32 s10, s7;
	s11 =	sadd.s32 s12, s11  }
0xf: {  	v8 =	vor.u32 $0x200, v0;
	v9 =	vor.u32 $0x201, v0;
	v10 =	vor.u32 $0x202, v0;
	s9 =	sadd.s32 s4, s7;
	s4 =	sadd.s32 $0x1A00, s7;
	s5 =	sadd.s32 $0x4200, s10  }
0x10: {  	v11 =	vor.u32 $0x203, v0;
	v12 =	vor.u32 $0x300, v0;
	v13 =	vor.u32 $0x301, v0;
	s7 =	sadd.s32 $0x9000, s7;
	s10 =	sshrl.u32 s31, $0x3;
	s11 =	sadd.s32 $0x4E00, s11  }
0x11: {  	v14 =	vor.u32 $0x302, v0;
	v15 =	vor.u32 $0x303, v0;
	v16 =	vor.u32 $0x400, v0;
	s8 =	sadd.s32 $0x3A200, s9;
	s9 =	sadd.s32 $0x30400, s9;
	s10 =	sadd.s32 s12, s10  }
0x12: {  	v17 =	vor.u32 $0x401, v0;
	v18 =	vor.u32 $0x402, v0;
	v19 =	vor.u32 $0x403, v0;
	s12 =	smax.u32 s13, $0x1;
	s13 =	sshrl.u32 s14, $0x3;
	s14 =	simm.s32 $0x3  }
.LBB2_1:
0x13: {  	[spmem:s13], [sflag:s6] =	dma.local [hbm:s5], $0x4E0  }
0x14: {  	_ =	swait.ge [sflag:s14], $0x4E0  }
0x15: {  	[sflag:s14] =	ssyncset.done $0x0  }
0x16: {  	s26 =	simm.s32 @!p0 $0x3;
	[sflag:s14] =	ssyncadd.s32 $0xFFFFFB20  }
0x17: {  	[spmem:s15], [sflag:s6] =	dma.local @!p0 [hbm:s7], $0x20  }
0x18: {  	_ =	swait.ge @!p0 [sflag:s26], $0x20  }
0x19: {  	[sflag:s26] =	ssyncset.done @!p0 $0x0  }
0x1a: {  	[sflag:s26] =	ssyncadd.s32 @!p0 $0xFFFFFFE0  }
0x1b: {  	[tilespmem:s16], [sflag:$0x3] =	stream.linear.gather [hbm4b:s4+s3], $0x13880, $0x38;
	[tilespmem:$0x1B7B0] =	vst v63  }
0x1c: {  	_ =	swait.ge [sflag:s14], $0x13880  }
0x1d: {  	[sflag:s14] =	ssyncset.done $0x0  }
0x1e: {  	[sflag:s14] =	ssyncadd.s32 $0xFFFEC780  }
0x1f: {  	[tilespmem:s17], [sflag:$0x3] =	stream.linear.gather [hbm4b:s8+s3], $0x2710, $0x38;
	[tilespmem:$0x1B7B0] =	vst v63  }
0x20: {  	_ =	swait.ge [sflag:s14], $0x2710  }
0x21: {  	[sflag:s14] =	ssyncset.done $0x0  }
0x22: {  	[sflag:s14] =	ssyncadd.s32 $0xFFFFD8F0  }
0x23: {  	[tilespmem:s18], [sflag:$0x3] =	stream.linear.gather [hbm4b:s9+s3], $0x2710, $0x38;
	[tilespmem:$0x1B7B0] =	vst v63  }
0x24: {  	_ =	swait.ge [sflag:s14], $0x2710  }
0x25: {  	[sflag:s14] =	ssyncset.done $0x0  }
0x26: {  	[sflag:s14] =	ssyncadd.s32 $0xFFFFD8F0  }
0x27: {  	s26 =	simm.s32 $0x0;
	[bflag:$0x0] =	sbarrier.arrive $0xFFFF  }
.LBB2_2:
0x28: {  	s28 =	sshra.s32 s26, $0x2  }
0x29: {  	v20 =	vld [tilespmem:s28+$0x15F90]  }
0x2a: {  	v21 =	vld [tilespmem:s28+$0x186A0]  }
0x2b: {  	v23 =	vld [tilespmem:s28+$0x15FA0]  }
0x2c: {  	v24 =	vld [tilespmem:s28+$0x186B0]  }
0x2d: {  	v25 =	vld [tilespmem:s28+$0x15FB0]  }
0x2e: {  	v26 =	vld [tilespmem:s28+$0x186C0]  }
0x2f: {  	v27 =	vld [tilespmem:s28+$0x15FC0];
	v20 =	vshll.u32 v20, $0x3;
	v21 =	vshll.u32 v21, $0x3  }
0x30: {  	v28 =	vld [tilespmem:s28+$0x186D0];
	v21 =	vor.u32 $0x1, v21  }
0x31: {  	v23 =	vshll.u32 v23, $0x3  }
0x32: {  	v29 =	vld [tilespmem:s28+$0x15FD0];
	v24 =	vshll.u32 v24, $0x3;
	v25 =	vshll.u32 v25, $0x3  }
0x33: {  	v30 =	vld [tilespmem:s28+$0x186E0];
	v24 =	vor.u32 $0x1, v24  }
0x34: {  	v26 =	vshll.u32 v26, $0x3;
	v27 =	vshll.u32 v27, $0x3;
	v22 =	vld.idx.msk [tilespmem:v20+s16+$0x0], $0xffff  }
0x35: {  	v28 =	vshll.u32 v28, $0x3;
	v26 =	vor.u32 $0x1, v26;
	v21 =	vld.idx.msk [tilespmem:v21+s16+$0x0], $0xffff  }
0x36: {  	v28 =	vor.u32 $0x1, v28;
	v31 =	vld.idx.msk [tilespmem:v23+s16+$0x0], $0xffff  }
0x37: {  	v41 =	vld.idx.msk [tilespmem:v25+s16+$0x0], $0xffff  }
0x38: {  	v29 =	vshll.u32 v29, $0x3;
	v30 =	vshll.u32 v30, $0x3;
	v24 =	vld.idx.msk [tilespmem:v24+s16+$0x0], $0xffff  }
0x39: {  	v30 =	vor.u32 $0x1, v30;
	v33 =	vld.idx.msk [tilespmem:v27+s16+$0x0], $0xffff  }
0x3a: {  	v26 =	vld.idx.msk [tilespmem:v26+s16+$0x0], $0xffff;
	v21 =	vadd.f32 v21, v22  }
0x3b: {  	v28 =	vld.idx.msk [tilespmem:v28+s16+$0x0], $0xffff  }
0x3c: {  	v32 =	vmul.f32 $2.000000030e-01, v21  }
0x3d: {  	v42 =	vld.idx.msk [tilespmem:v29+s16+$0x0], $0xffff;
	v24 =	vadd.f32 v24, v31;
	vm0 =	vge.f32 v21, $0.0e+00  }
0x3e: {  	v43 =	vld.idx.msk [tilespmem:v30+s16+$0x0], $0xffff;
	v21 =	vsel vm0, v21, v32  }
0x3f: {  	v22 =	vadd.f32 v26, v41;
	v44 =	vmul.f32 $2.000000030e-01, v24;
	v21 =	vmul.f32 $1.442695020e+00, v21  }
0x40: {  	v45 =	vor.u32 $0x2, v20;
	v47 =	vadd.f32 v28, v33;
	vm7 =	vge.f32 v24, $0.0e+00  }
0x41: {  	v46 =	vmul.f32 $2.000000030e-01, v22;
	(erf) = vpow2.f32 v21;
	v21 =	vsel vm7, v24, v44  }
0x42: {  	v48 =	vor.u32 $0x2, v23;
	vm8 =	vge.f32 v22, $0.0e+00;
	v21 =	vmul.f32 $1.442695020e+00, v21  }
0x43: {  	v26 =	vadd.f32 v43, v42;
	v28 =	vmul.f32 $2.000000030e-01, v47;
	v22 =	vsel vm8, v22, v46  }
0x44: {  	vm9 =	vge.f32 v47, $0.0e+00;
	v22 =	vmul.f32 $1.442695020e+00, v22;
	(erf) = vpow2.f32 v21  }
0x45: {  	v52 =	vor.u32 $0x2, v25;
	v50 =	vmul.f32 $2.000000030e-01, v26;
	v49 =	vsel vm9, v47, v28  }
0x46: {  	v51 =	vld.idx.msk [tilespmem:v45+s16+$0x0], $0xffff;
	vm10 =	vge.f32 v26, $0.0e+00;
	(erf) = vpow2.f32 v22;
	v22 =	vmul.f32 $1.442695020e+00, v49  }
0x47: {  	v24 =	vsel vm10, v26, v50  }
0x48: {  	v53 =	vor.u32 $0x2, v27;
	v24 =	vmul.f32 $1.442695020e+00, v24;
	(erf) = vpow2.f32 v22  }
0x49: {  	v54 =	vor.u32 $0x3, v20;
	v21 =	vld.idx.msk [tilespmem:v48+s16+$0x0], $0xffff  }
0x4a: {  	v56 =	vor.u32 $0x2, v29;
	v55 =	vpop (erf);
	(erf) = vpow2.f32 v24  }
0x4b: {  	v30 =	vld.idx.msk [tilespmem:v52+s16+$0x0], $0xffff;
	v28 =	vmul.f32 v55, v51  }
0x4c: {  	v57 =	vor.u32 $0x3, v23  }
0x4d: {  	v22 =	vld.idx.msk [tilespmem:v53+s16+$0x0], $0xffff;
	[tilespmem:v0+s19+$0x0] =	vst.idx.msk $0xffff, v28;
	v58 =	vpop (erf)  }
0x4e: {  	v59 =	vor.u32 $0x3, v25;
	v26 =	vld.idx.msk [tilespmem:v54+s16+$0x0], $0xffff;
	v21 =	vmul.f32 v58, v21  }
0x4f: {  	v24 =	vld.idx.msk [tilespmem:v56+s16+$0x0], $0xffff;
	v34 =	vpop (erf)  }
0x50: {  	v61 =	vor.u32 $0x3, v27;
	v60 =	vmul.f32 v34, v30;
	[tilespmem:v4+s19+$0x0] =	vst.idx.msk $0xffff, v21  }
0x51: {  	v20 =	vor.u32 $0x4, v20;
	v35 =	vpop (erf);
	v32 =	vld.idx.msk [tilespmem:v57+s16+$0x0], $0xffff  }
0x52: {  	v63 =	vor.u32 $0x3, v29;
	[tilespmem:v8+s19+$0x0] =	vst.idx.msk $0xffff, v60;
	v62 =	vmul.f32 v35, v22  }
0x53: {  	v33 =	vld.idx.msk [tilespmem:v59+s16+$0x0], $0xffff;
	v26 =	vmul.f32 v55, v26;
	v36 =	vpop (erf)  }
0x54: {  	v23 =	vor.u32 $0x4, v23;
	[tilespmem:v12+s19+$0x0] =	vst.idx.msk $0xffff, v62;
	v39 =	vmul.f32 v36, v24  }
0x55: {  	v40 =	vld.idx.msk [tilespmem:v61+s16+$0x0], $0xffff;
	[tilespmem:v1+s19+$0x0] =	vst.idx.msk $0xffff, v26  }
0x56: {  	v25 =	vor.u32 $0x4, v25;
	v20 =	vld.idx.msk [tilespmem:v20+s16+$0x0], $0xffff;
	v41 =	vmul.f32 v58, v32;
	[tilespmem:v16+s19+$0x0] =	vst.idx.msk $0xffff, v39  }
0x57: {  	v21 =	vld.idx.msk [tilespmem:v63+s16+$0x0], $0xffff  }
0x58: {  	v43 =	vor.u32 $0x4, v27;
	v42 =	vmul.f32 v34, v33;
	[tilespmem:v5+s19+$0x0] =	vst.idx.msk $0xffff, v41  }
0x59: {  	v23 =	vld.idx.msk [tilespmem:v23+s16+$0x0], $0xffff  }
0x5a: {  	v45 =	vor.u32 $0x4, v29;
	[tilespmem:v9+s19+$0x0] =	vst.idx.msk $0xffff, v42;
	v44 =	vmul.f32 v35, v40  }
0x5b: {  	v25 =	vld.idx.msk [tilespmem:v25+s16+$0x0], $0xffff;
	v20 =	vmul.f32 v20, v55  }
0x5c: {  	[tilespmem:v13+s19+$0x0] =	vst.idx.msk $0xffff, v44;
	v21 =	vmul.f32 v36, v21  }
0x5d: {  	[tilespmem:v2+s19+$0x0] =	vst.idx.msk $0xffff, v20;
	v20 =	vld.idx.msk [tilespmem:v43+s16+$0x0], $0xffff  }
0x5e: {  	v46 =	vmul.f32 v23, v58;
	[tilespmem:v17+s19+$0x0] =	vst.idx.msk $0xffff, v21  }
0x5f: {  	[tilespmem:v3+s19+$0x0] =	vst.idx.msk $0xffff, v55;
	v21 =	vld.idx.msk [tilespmem:v45+s16+$0x0], $0xffff  }
0x60: {  	v47 =	vmul.f32 v25, v34;
	[tilespmem:v6+s19+$0x0] =	vst.idx.msk $0xffff, v46  }
0x61: {  	[tilespmem:v7+s19+$0x0] =	vst.idx.msk $0xffff, v58  }
0x62: {  	[tilespmem:v10+s19+$0x0] =	vst.idx.msk $0xffff, v47;
	v20 =	vmul.f32 v20, v35  }
0x63: {  	[tilespmem:v11+s19+$0x0] =	vst.idx.msk $0xffff, v34  }
0x64: {  	[tilespmem:v14+s19+$0x0] =	vst.idx.msk $0xffff, v20;
	v20 =	vmul.f32 v21, v36  }
0x65: {  	[tilespmem:v15+s19+$0x0] =	vst.idx.msk $0xffff, v35  }
0x66: {  	[tilespmem:v18+s19+$0x0] =	vst.idx.msk $0xffff, v20  }
0x67: {  	s29 =	sadd.s32 $0x186A0, s28;
	[tilespmem:v19+s19+$0x0] =	vst.idx.msk $0xffff, v36  }
0x68: {  	[spmem:s2] =	stream.indirect.scatter.add.f32 [tilespmem:s19], [sflag:$0x1], $0x10, s29, s20, $0xb8;
	[tilespmem:$0x1B7B0] =	vst v63  }
0x69: {  	v20 =	vld [tilespmem:s28+$0x15FE0]  }
0x6a: {  	v48 =	vld [tilespmem:s28+$0x186F0]  }
0x6b: {  	v49 =	vld [tilespmem:s28+$0x15FF0]  }
0x6c: {  	v50 =	vld [tilespmem:s28+$0x18700]  }
0x6d: {  	v51 =	vld [tilespmem:s28+$0x16000]  }
0x6e: {  	v52 =	vld [tilespmem:s28+$0x18710]  }
0x6f: {  	v53 =	vld [tilespmem:s28+$0x16010];
	v20 =	vshll.u32 v20, $0x3;
	v21 =	vshll.u32 v48, $0x3  }
0x70: {  	v28 =	vld [tilespmem:s28+$0x18720];
	v21 =	vor.u32 $0x1, v21  }
0x71: {  	v23 =	vshll.u32 v49, $0x3  }
0x72: {  	v54 =	vld [tilespmem:s28+$0x16020];
	v24 =	vshll.u32 v50, $0x3;
	v25 =	vshll.u32 v51, $0x3  }
0x73: {  	v55 =	vld [tilespmem:s28+$0x18730];
	v24 =	vor.u32 $0x1, v24  }
0x74: {  	v26 =	vshll.u32 v52, $0x3;
	v27 =	vshll.u32 v53, $0x3;
	v22 =	vld.idx.msk [tilespmem:v20+s16+$0x0], $0xffff  }
0x75: {  	v28 =	vshll.u32 v28, $0x3;
	v26 =	vor.u32 $0x1, v26;
	v21 =	vld.idx.msk [tilespmem:v21+s16+$0x0], $0xffff  }
0x76: {  	v28 =	vor.u32 $0x1, v28;
	v31 =	vld.idx.msk [tilespmem:v23+s16+$0x0], $0xffff  }
0x77: {  	v56 =	vld.idx.msk [tilespmem:v25+s16+$0x0], $0xffff  }
0x78: {  	v29 =	vshll.u32 v54, $0x3;
	v30 =	vshll.u32 v55, $0x3;
	v24 =	vld.idx.msk [tilespmem:v24+s16+$0x0], $0xffff  }
0x79: {  	v30 =	vor.u32 $0x1, v30;
	v58 =	vld.idx.msk [tilespmem:v27+s16+$0x0], $0xffff  }
0x7a: {  	v26 =	vld.idx.msk [tilespmem:v26+s16+$0x0], $0xffff;
	v21 =	vadd.f32 v21, v22  }
0x7b: {  	v28 =	vld.idx.msk [tilespmem:v28+s16+$0x0], $0xffff  }
0x7c: {  	v57 =	vmul.f32 $2.000000030e-01, v21  }
0x7d: {  	v59 =	vld.idx.msk [tilespmem:v29+s16+$0x0], $0xffff;
	v24 =	vadd.f32 v24, v31;
	vm11 =	vge.f32 v21, $0.0e+00  }
0x7e: {  	v60 =	vld.idx.msk [tilespmem:v30+s16+$0x0], $0xffff;
	v21 =	vsel vm11, v21, v57  }
0x7f: {  	v22 =	vadd.f32 v26, v56;
	v61 =	vmul.f32 $2.000000030e-01, v24;
	v21 =	vmul.f32 $1.442695020e+00, v21  }
0x80: {  	v62 =	vor.u32 $0x2, v20;
	v35 =	vadd.f32 v28, v58;
	vm12 =	vge.f32 v24, $0.0e+00  }
0x81: {  	v63 =	vmul.f32 $2.000000030e-01, v22;
	(erf) = vpow2.f32 v21;
	v21 =	vsel vm12, v24, v61  }
0x82: {  	v36 =	vor.u32 $0x2, v23;
	vm13 =	vge.f32 v22, $0.0e+00;
	v21 =	vmul.f32 $1.442695020e+00, v21  }
0x83: {  	v26 =	vadd.f32 v60, v59;
	v28 =	vmul.f32 $2.000000030e-01, v35;
	v22 =	vsel vm13, v22, v63  }
0x84: {  	vm14 =	vge.f32 v35, $0.0e+00;
	v22 =	vmul.f32 $1.442695020e+00, v22;
	(erf) = vpow2.f32 v21  }
0x85: {  	v40 =	vor.u32 $0x2, v25;
	v38 =	vmul.f32 $2.000000030e-01, v26;
	v37 =	vsel vm14, v35, v28  }
0x86: {  	v39 =	vld.idx.msk [tilespmem:v62+s16+$0x0], $0xffff;
	vm15 =	vge.f32 v26, $0.0e+00;
	(erf) = vpow2.f32 v22;
	v22 =	vmul.f32 $1.442695020e+00, v37  }
0x87: {  	v24 =	vsel vm15, v26, v38  }
0x88: {  	v41 =	vor.u32 $0x2, v27;
	v24 =	vmul.f32 $1.442695020e+00, v24;
	(erf) = vpow2.f32 v22  }
0x89: {  	v42 =	vor.u32 $0x3, v20;
	v21 =	vld.idx.msk [tilespmem:v36+s16+$0x0], $0xffff  }
0x8a: {  	v44 =	vor.u32 $0x2, v29;
	v43 =	vpop (erf);
	(erf) = vpow2.f32 v24  }
0x8b: {  	v30 =	vld.idx.msk [tilespmem:v40+s16+$0x0], $0xffff;
	v28 =	vmul.f32 v43, v39  }
0x8c: {  	v45 =	vor.u32 $0x3, v23  }
0x8d: {  	v22 =	vld.idx.msk [tilespmem:v41+s16+$0x0], $0xffff;
	v46 =	vpop (erf);
	[tilespmem:v0+s21+$0x0] =	vst.idx.msk $0xffff, v28  }
0x8e: {  	v47 =	vor.u32 $0x3, v25;
	v26 =	vld.idx.msk [tilespmem:v42+s16+$0x0], $0xffff;
	v21 =	vmul.f32 v46, v21  }
0x8f: {  	v24 =	vld.idx.msk [tilespmem:v44+s16+$0x0], $0xffff;
	v48 =	vpop (erf)  }
0x90: {  	v50 =	vor.u32 $0x3, v27;
	v49 =	vmul.f32 v48, v30;
	[tilespmem:v4+s21+$0x0] =	vst.idx.msk $0xffff, v21  }
0x91: {  	v20 =	vor.u32 $0x4, v20;
	v51 =	vpop (erf);
	v32 =	vld.idx.msk [tilespmem:v45+s16+$0x0], $0xffff  }
0x92: {  	v53 =	vor.u32 $0x3, v29;
	[tilespmem:v8+s21+$0x0] =	vst.idx.msk $0xffff, v49;
	v52 =	vmul.f32 v51, v22  }
0x93: {  	v28 =	vld.idx.msk [tilespmem:v47+s16+$0x0], $0xffff;
	v26 =	vmul.f32 v43, v26;
	v54 =	vpop (erf)  }
0x94: {  	v55 =	vor.u32 $0x4, v23;
	[tilespmem:v12+s21+$0x0] =	vst.idx.msk $0xffff, v52;
	v56 =	vmul.f32 v54, v24  }
0x95: {  	v57 =	vld.idx.msk [tilespmem:v50+s16+$0x0], $0xffff;
	[tilespmem:v1+s21+$0x0] =	vst.idx.msk $0xffff, v26  }
0x96: {  	v25 =	vor.u32 $0x4, v25;
	[tilespmem:v16+s21+$0x0] =	vst.idx.msk $0xffff, v56;
	v20 =	vld.idx.msk [tilespmem:v20+s16+$0x0], $0xffff;
	v58 =	vmul.f32 v46, v32  }
0x97: {  	v22 =	vld.idx.msk [tilespmem:v53+s16+$0x0], $0xffff  }
0x98: {  	v60 =	vor.u32 $0x4, v27;
	v59 =	vmul.f32 v48, v28;
	[tilespmem:v5+s21+$0x0] =	vst.idx.msk $0xffff, v58  }
0x99: {  	v21 =	vld.idx.msk [tilespmem:v55+s16+$0x0], $0xffff  }
0x9a: {  	v62 =	vor.u32 $0x4, v29;
	[tilespmem:v9+s21+$0x0] =	vst.idx.msk $0xffff, v59;
	v61 =	vmul.f32 v51, v57  }
0x9b: {  	v25 =	vld.idx.msk [tilespmem:v25+s16+$0x0], $0xffff;
	v20 =	vmul.f32 v20, v43  }
0x9c: {  	[tilespmem:v13+s21+$0x0] =	vst.idx.msk $0xffff, v61;
	v22 =	vmul.f32 v54, v22  }
0x9d: {  	[tilespmem:v2+s21+$0x0] =	vst.idx.msk $0xffff, v20;
	v20 =	vld.idx.msk [tilespmem:v60+s16+$0x0], $0xffff  }
0x9e: {  	[tilespmem:v17+s21+$0x0] =	vst.idx.msk $0xffff, v22;
	v21 =	vmul.f32 v21, v46  }
0x9f: {  	[tilespmem:v3+s21+$0x0] =	vst.idx.msk $0xffff, v43;
	v22 =	vld.idx.msk [tilespmem:v62+s16+$0x0], $0xffff  }
0xa0: {  	v63 =	vmul.f32 v25, v48;
	[tilespmem:v6+s21+$0x0] =	vst.idx.msk $0xffff, v21  }
0xa1: {  	[tilespmem:v7+s21+$0x0] =	vst.idx.msk $0xffff, v46  }
0xa2: {  	[tilespmem:v10+s21+$0x0] =	vst.idx.msk $0xffff, v63;
	v20 =	vmul.f32 v20, v51  }
0xa3: {  	[tilespmem:v11+s21+$0x0] =	vst.idx.msk $0xffff, v48  }
0xa4: {  	[tilespmem:v14+s21+$0x0] =	vst.idx.msk $0xffff, v20;
	v20 =	vmul.f32 v22, v54  }
0xa5: {  	[tilespmem:v15+s21+$0x0] =	vst.idx.msk $0xffff, v51  }
0xa6: {  	[tilespmem:v18+s21+$0x0] =	vst.idx.msk $0xffff, v20  }
0xa7: {  	s28 =	sadd.s32 $0x186F0, s28;
	[tilespmem:v19+s21+$0x0] =	vst.idx.msk $0xffff, v54  }
0xa8: {  	[spmem:s2] =	stream.indirect.scatter.add.f32 [tilespmem:s21], [sflag:$0x2], $0x10, s28, s20, $0xb8;
	[tilespmem:$0x1B7B0] =	vst v63  }
0xa9: {  	p1 =	sne.s32 s26, $0x9880;
	_ =	swait.ge [sflag:s22], $0x500  }
.Ltmp0:
0xaa: {  	[sflag:s22] =	ssyncset.done $0x0;
	(pc) =	sbr.rel @p1 .LBB2_2-.Ltmp0, $4  }
0xab: {  	[sflag:s22] =	ssyncadd.s32 $0xFFFFFB00  }
0xac: {  	_ =	swait.ge [sflag:s23], $0x500  }
0xad: {  	[sflag:s23] =	ssyncset.done $0x0  }
0xae: {  	s26 =	sadd.s32 $0x280, s26;
	[sflag:s23] =	ssyncadd.s32 $0xFFFFFB00  }
0xaf: {  	v20 =	vld [tilespmem:$0x18650]  }
0xb0: {  	v21 =	vld [tilespmem:$0x1AD60]  }
0xb1: {  	v23 =	vld [tilespmem:$0x18660]  }
0xb2: {  	v24 =	vld [tilespmem:$0x1AD70]  }
0xb3: {  	v25 =	vld [tilespmem:$0x18670]  }
0xb4: {  	v26 =	vld [tilespmem:$0x1AD80]  }
0xb5: {  	v27 =	vld [tilespmem:$0x18680];
	v20 =	vshll.u32 v20, $0x3;
	v21 =	vshll.u32 v21, $0x3  }
0xb6: {  	v28 =	vld [tilespmem:$0x1AD90];
	v21 =	vor.u32 $0x1, v21  }
0xb7: {  	v23 =	vshll.u32 v23, $0x3  }
0xb8: {  	v29 =	vld [tilespmem:$0x18690];
	v24 =	vshll.u32 v24, $0x3;
	v25 =	vshll.u32 v25, $0x3  }
0xb9: {  	v30 =	vld [tilespmem:$0x1ADA0];
	v24 =	vor.u32 $0x1, v24  }
0xba: {  	v26 =	vshll.u32 v26, $0x3;
	v27 =	vshll.u32 v27, $0x3;
	v22 =	vld.idx.msk [tilespmem:v20+s16+$0x0], $0xffff  }
0xbb: {  	v28 =	vshll.u32 v28, $0x3;
	v26 =	vor.u32 $0x1, v26;
	v21 =	vld.idx.msk [tilespmem:v21+s16+$0x0], $0xffff  }
0xbc: {  	v28 =	vor.u32 $0x1, v28;
	v31 =	vld.idx.msk [tilespmem:v23+s16+$0x0], $0xffff  }
0xbd: {  	v60 =	vld.idx.msk [tilespmem:v25+s16+$0x0], $0xffff  }
0xbe: {  	v29 =	vshll.u32 v29, $0x3;
	v30 =	vshll.u32 v30, $0x3;
	v24 =	vld.idx.msk [tilespmem:v24+s16+$0x0], $0xffff  }
0xbf: {  	v30 =	vor.u32 $0x1, v30;
	v33 =	vld.idx.msk [tilespmem:v27+s16+$0x0], $0xffff  }
0xc0: {  	v26 =	vld.idx.msk [tilespmem:v26+s16+$0x0], $0xffff;
	v21 =	vadd.f32 v21, v22  }
0xc1: {  	v28 =	vld.idx.msk [tilespmem:v28+s16+$0x0], $0xffff  }
0xc2: {  	v32 =	vmul.f32 $2.000000030e-01, v21  }
0xc3: {  	v61 =	vld.idx.msk [tilespmem:v29+s16+$0x0], $0xffff;
	v24 =	vadd.f32 v24, v31;
	vm0 =	vge.f32 v21, $0.0e+00  }
0xc4: {  	v62 =	vld.idx.msk [tilespmem:v30+s16+$0x0], $0xffff;
	v21 =	vsel vm0, v21, v32  }
0xc5: {  	v22 =	vadd.f32 v26, v60;
	v63 =	vmul.f32 $2.000000030e-01, v24;
	v21 =	vmul.f32 $1.442695020e+00, v21  }
0xc6: {  	v36 =	vor.u32 $0x2, v20;
	v38 =	vadd.f32 v28, v33;
	vm12 =	vge.f32 v24, $0.0e+00  }
0xc7: {  	v37 =	vmul.f32 $2.000000030e-01, v22;
	(erf) = vpow2.f32 v21;
	v21 =	vsel vm12, v24, v63  }
0xc8: {  	v39 =	vor.u32 $0x2, v23;
	vm13 =	vge.f32 v22, $0.0e+00;
	v21 =	vmul.f32 $1.442695020e+00, v21  }
0xc9: {  	v26 =	vadd.f32 v62, v61;
	v28 =	vmul.f32 $2.000000030e-01, v38;
	v22 =	vsel vm13, v22, v37  }
0xca: {  	vm14 =	vge.f32 v38, $0.0e+00;
	v22 =	vmul.f32 $1.442695020e+00, v22;
	(erf) = vpow2.f32 v21  }
0xcb: {  	v43 =	vor.u32 $0x2, v25;
	v41 =	vmul.f32 $2.000000030e-01, v26;
	v40 =	vsel vm14, v38, v28  }
0xcc: {  	v42 =	vld.idx.msk [tilespmem:v36+s16+$0x0], $0xffff;
	vm15 =	vge.f32 v26, $0.0e+00;
	(erf) = vpow2.f32 v22;
	v22 =	vmul.f32 $1.442695020e+00, v40  }
0xcd: {  	v24 =	vsel vm15, v26, v41  }
0xce: {  	v44 =	vor.u32 $0x2, v27;
	v24 =	vmul.f32 $1.442695020e+00, v24;
	(erf) = vpow2.f32 v22  }
0xcf: {  	v45 =	vor.u32 $0x3, v20;
	v21 =	vld.idx.msk [tilespmem:v39+s16+$0x0], $0xffff  }
0xd0: {  	v47 =	vor.u32 $0x2, v29;
	v46 =	vpop (erf);
	(erf) = vpow2.f32 v24  }
0xd1: {  	v30 =	vld.idx.msk [tilespmem:v43+s16+$0x0], $0xffff;
	v28 =	vmul.f32 v46, v42  }
0xd2: {  	v48 =	vor.u32 $0x3, v23  }
0xd3: {  	v22 =	vld.idx.msk [tilespmem:v44+s16+$0x0], $0xffff;
	v49 =	vpop (erf);
	[tilespmem:v0+s19+$0x0] =	vst.idx.msk $0xffff, v28  }
0xd4: {  	v50 =	vor.u32 $0x3, v25;
	v26 =	vld.idx.msk [tilespmem:v45+s16+$0x0], $0xffff;
	v21 =	vmul.f32 v49, v21  }
0xd5: {  	v24 =	vld.idx.msk [tilespmem:v47+s16+$0x0], $0xffff;
	v34 =	vpop (erf)  }
0xd6: {  	v52 =	vor.u32 $0x3, v27;
	v51 =	vmul.f32 v34, v30;
	[tilespmem:v4+s19+$0x0] =	vst.idx.msk $0xffff, v21  }
0xd7: {  	v20 =	vor.u32 $0x4, v20;
	v35 =	vpop (erf);
	v32 =	vld.idx.msk [tilespmem:v48+s16+$0x0], $0xffff  }
0xd8: {  	v54 =	vor.u32 $0x3, v29;
	[tilespmem:v8+s19+$0x0] =	vst.idx.msk $0xffff, v51;
	v53 =	vmul.f32 v35, v22  }
0xd9: {  	v28 =	vld.idx.msk [tilespmem:v50+s16+$0x0], $0xffff;
	v26 =	vmul.f32 v46, v26;
	v36 =	vpop (erf)  }
0xda: {  	v55 =	vor.u32 $0x4, v23;
	[tilespmem:v12+s19+$0x0] =	vst.idx.msk $0xffff, v53;
	v56 =	vmul.f32 v36, v24  }
0xdb: {  	v57 =	vld.idx.msk [tilespmem:v52+s16+$0x0], $0xffff;
	[tilespmem:v1+s19+$0x0] =	vst.idx.msk $0xffff, v26  }
0xdc: {  	v25 =	vor.u32 $0x4, v25;
	[tilespmem:v16+s19+$0x0] =	vst.idx.msk $0xffff, v56;
	v20 =	vld.idx.msk [tilespmem:v20+s16+$0x0], $0xffff;
	v58 =	vmul.f32 v49, v32  }
0xdd: {  	v22 =	vld.idx.msk [tilespmem:v54+s16+$0x0], $0xffff  }
0xde: {  	v60 =	vor.u32 $0x4, v27;
	v59 =	vmul.f32 v34, v28;
	[tilespmem:v5+s19+$0x0] =	vst.idx.msk $0xffff, v58  }
0xdf: {  	v21 =	vld.idx.msk [tilespmem:v55+s16+$0x0], $0xffff  }
0xe0: {  	v62 =	vor.u32 $0x4, v29;
	[tilespmem:v9+s19+$0x0] =	vst.idx.msk $0xffff, v59;
	v61 =	vmul.f32 v35, v57  }
0xe1: {  	v25 =	vld.idx.msk [tilespmem:v25+s16+$0x0], $0xffff;
	v20 =	vmul.f32 v20, v46  }
0xe2: {  	[tilespmem:v13+s19+$0x0] =	vst.idx.msk $0xffff, v61;
	v22 =	vmul.f32 v36, v22  }
0xe3: {  	[tilespmem:v2+s19+$0x0] =	vst.idx.msk $0xffff, v20;
	v20 =	vld.idx.msk [tilespmem:v60+s16+$0x0], $0xffff  }
0xe4: {  	[tilespmem:v17+s19+$0x0] =	vst.idx.msk $0xffff, v22;
	v21 =	vmul.f32 v21, v49  }
0xe5: {  	[tilespmem:v3+s19+$0x0] =	vst.idx.msk $0xffff, v46;
	v22 =	vld.idx.msk [tilespmem:v62+s16+$0x0], $0xffff  }
0xe6: {  	v63 =	vmul.f32 v25, v34;
	[tilespmem:v6+s19+$0x0] =	vst.idx.msk $0xffff, v21  }
0xe7: {  	[tilespmem:v7+s19+$0x0] =	vst.idx.msk $0xffff, v49  }
0xe8: {  	[tilespmem:v10+s19+$0x0] =	vst.idx.msk $0xffff, v63;
	v20 =	vmul.f32 v20, v35  }
0xe9: {  	[tilespmem:v11+s19+$0x0] =	vst.idx.msk $0xffff, v34  }
0xea: {  	[tilespmem:v14+s19+$0x0] =	vst.idx.msk $0xffff, v20;
	v20 =	vmul.f32 v22, v36  }
0xeb: {  	[tilespmem:v15+s19+$0x0] =	vst.idx.msk $0xffff, v35  }
0xec: {  	[tilespmem:v18+s19+$0x0] =	vst.idx.msk $0xffff, v20  }
0xed: {  	[tilespmem:v19+s19+$0x0] =	vst.idx.msk $0xffff, v36  }
0xee: {  	[spmem:s2] =	stream.indirect.scatter.add.f32 [tilespmem:s19], [sflag:$0x1], $0x10, s24, s20, $0xb8;
	[tilespmem:$0x1B7B0] =	vst v63  }
0xef: {  	_ =	swait.ge [sflag:s22], $0x500  }
0xf0: {  	[sflag:s22] =	ssyncset.done $0x0  }
0xf1: {  	[sflag:s22] =	ssyncadd.s32 $0xFFFFFB00  }
0xf2: {  	[bflag:$0x0] =	sbarrier.arrive $0xFFFF  }
0xf3: {  	[hbm:s10], [sflag:s6] =	dma.local [spmem:s13], $0x4E0  }
0xf4: {  	s25 =	sadd.s32 $0x1, s25;
	_ =	swait.ge [sflag:s14], $0x4E0  }
0xf5: {  	p1 =	sne.s32 s25, s12;
	[sflag:s14] =	ssyncset.done $0x0  }
.Ltmp1:
0xf6: {  	s26 =	simm.s32 @!p0 $0x3;
	[sflag:s14] =	ssyncadd.s32 $0xFFFFFB20;
	(pc) =	sbr.rel @p1 .LBB2_1-.Ltmp1, $4  }
0xf7: {  	[hbm:s11], [sflag:s6] =	dma.local @!p0 [spmem:s15], $0x20  }
0xf8: {  	_ =	swait.ge @!p0 [sflag:s26], $0x20  }
0xf9: {  	[sflag:s26] =	ssyncset.done @!p0 $0x0  }
0xfa: {  	[sflag:s26] =	ssyncadd.s32 @!p0 $0xFFFFFFE0  }
0xfb: {  	_ =	sfence.sel $0x180000  }
0xfc: {  	[bflag:$0x0] =	sbarrier.arrive $0xFFFF  }
0xfd: {  	p0 =	sne.s32 s0, $0x0;
	_ =	strace $0x9000004A  }
0xfe: {  	s0 =	sadd.s32 @!p0 $0x100000, s1;
	[bflag:$0x2] =	sbarrier.arrive $0xFFFF  }
0xff: {  	[sflag:s0] =	ssyncadd.tile.s32 @!p0 $0x1;
	_ =	shalt  }
.Lfunc_end2:
_tile_overlayer_lowered:
.L_overlay_start_2:
0x100: {  	(tag) =	ssettag $0x2  }
0x101: {  	s0 =	rddreg [dreg:$0x0];
	s2 =	stileid.u32  }
0x102: {  	s1 =	rddreg [dreg:$0x1];
	p0 =	sne.s32 s2, $0x0  }
0x103: {  	s3 =	rddreg [dreg:$0x2];
	[bflag:$0x3] =	sbarrier.arrive $0xFFFF;
	s2 =	simm.s32 @!p0 $0x1C03  }
0x104: {  	[timem:s3], [sflag:s2] =	dma.local @!p0 [hbm:s0], s1  }
0x105: {  	s0 =	simm.s32 @!p0 $0x3  }
0x106: {  	_ =	swait.ge @!p0 [sflag:s0], s1  }
0x107: {  	s1 =	ssub.s32 @!p0 $0x0, s1;
	[sflag:s0] =	ssyncset.done @!p0 $0x0  }
0x108: {  	[sflag:s0] =	ssyncadd.s32 @!p0 s1  }
0x109: {  	[bflag:$0x3] =	sbarrier.arrive $0xFFFF  }
0x10a: {  	_ =	shalt  }

// kernel: kernel.7.cloned.1.call-start
scs
__scs_entry_jumppad:
0x0: {  	(pc) =	sbr.rel $0x88, $3  }
0x1: {  	(tag) =	ssettag $0x0;
	lr =	simm.s32 $0x1  }
0x2: {  	[smem:$0x3F97] =	sst lr;
	_ =	strace $0xD0000000  }
0x3: {  	_ = 	snop  }
0x4: {  	_ = 	snop  }
0x5: {  	_ = 	snop  }
0x6: {  	_ = 	snop  }
0x7: {  	_ = 	snop  }
__scs_overlays_trampoline_lowered:
0x8: {  	[smem:$0x3FA6] =	sst s0  }
0x9: {  	[smem:$0x3FA7] =	sst s1  }
0xa: {  	[smem:$0x3FA8] =	sst s2  }
0xb: {  	[smem:$0x3FA9] =	sst s3  }
0xc: {  	[smem:$0x3FAA] =	sst s4  }
0xd: {  	[smem:$0x3FAB] =	sst s5  }
0xe: {  	[smem:$0x3FAC] =	sst s6  }
0xf: {  	[smem:$0x3FAD] =	sst s7  }
0x10: {  	[smem:$0x3FAE] =	sst s8  }
0x11: {  	[smem:$0x3FAF] =	sst s9;
	s0 =	simm.s32 @!p0 $0x0  }
0x12: {  	s1 =	sld [smem:$0x3F95];
	s0 =	simm.s32 @p0 $0x1  }
0x13: {  	[smem:$0x3FB0] =	sst s0;
	s0 =	simm.s32 @!p1 $0x0  }
0x14: {  	s2 =	sld [smem:$0x3F94];
	s0 =	simm.s32 @p1 $0x1  }
0x15: {  	[smem:$0x3FB1] =	sst s0;
	s0 =	simm.s32 @!p2 $0x0  }
0x16: {  	s3 =	sld [smem:$0x3FDB];
	s0 =	simm.s32 @p2 $0x1  }
0x17: {  	s4 =	simm.s32 $0x1BF5;
	[smem:$0x3FB3] =	sst s0  }
0x18: {  	s0 =	sld [smem:$0x3F96];
	_ =	swait.ge [sflag:s4], $0x0  }
0x19: {  	s7 =	sld [smem:$0x3F97]  }
0x1a: {  	s8 =	sadd.s32 $0xFFFFE003, lr  }
0x1b: {  	s9 =	sadd.s32 $0xFFFFFEF7, lr;
	s5 =	simm.s32 $0xFFFFFFFF;
	p2 =	slt.u32 s8, $0xFFFFF086  }
0x1c: {  	p1 =	slt.u32 s9, $0xF7A;
	s5 =	simm.s32 @!p2 $0x0  }
0x1d: {  	s5 =	simm.s32 @p1 $0x1;
	p0 =	seq.s32 s7, s2  }
0x1e: {  	s7 =	smul.u32 @!p0 $0xF7A, s2;
	p2 =	seq.s32 @!p0 s5, $0x0  }
0x1f: {  	s9 =	smul.u32 $0xF7A, s1;
	s8 =	simm.s32 @!p0 $0x1BF5;
	p2 =	por !p2, p0  }
0x20: {  	[sflag:s8] =	ssyncset.s32 @!p0 $0xFFFFF086;
	s6 =	sadd.s32 @!p0 s3, s7;
	s7 =	simm.s32 @!p0 $0x108  }
0x21: {  	s3 =	sadd.s32 s3, s9;
	s6 =	sadd.s32 @!p0 $0x88, s6;
	s7 =	simm.s32 @p2 $0x1082  }
0x22: {  	[simem:s7], [sflag:s8] =	dma.local @!p0 [hbm:s6], $0xF7A  }
0x23: {  	s9 =	sor.u32 $0xD0000000, s2;
	s6 =	simm.s32 $0x108;
	_ =	swait.ge @!p0 [sflag:s8], $0x0  }
0x24: {  	s3 =	sadd.s32 $0x88, s3;
	s6 =	simm.s32 @!p1 $0x1082;
	[sflag:s4] =	ssyncset.s32 $0xFFFFF086  }
0x25: {  	[simem:s6], [sflag:s4] =	dma.local [hbm:s3], $0xF7A  }
0x26: {  	[smem:$0x3F97] =	sst s1;
	(tag) =	ssettag s2;
	_ =	strace s9  }
0x27: {  	s1 =	sld [smem:$0x3FA7]  }
0x28: {  	s2 =	sld [smem:$0x3FA8]  }
0x29: {  	s4 =	sld [smem:$0x3FAA]  }
0x2a: {  	p0 =	seq.s32 s5, $0x0;
	s5 =	sld [smem:$0x3FAB]  }
0x2b: {  	s6 =	sld [smem:$0x3FAC]  }
0x2c: {  	s7 =	sld [smem:$0x3FAD]  }
0x2d: {  	s3 =	simm.s32 $0x108;
	s8 =	sld [smem:$0x3FAE]  }
0x2e: {  	s3 =	simm.s32 @!p0 $0x1082;
	s9 =	sld [smem:$0x3FAF]  }
0x2f: {  	lr =	sadd.s32 s0, s3;
	s0 =	sld [smem:$0x3FA6]  }
0x30: {  	s3 =	sld [smem:$0x3FA9]  }
0x31: {  	[smem:$0x3FB2] =	sst s10  }
0x32: {  	s10 =	sld [smem:$0x3FB0];
	_ =	sdelay $0x3  }
0x33: {  	p0 =	seq.s32 s10, $0x1;
	s10 =	sld [smem:$0x3FB2];
	_ =	sdelay $0x3  }
0x34: {  	[smem:$0x3FB2] =	sst s10  }
0x35: {  	s10 =	sld [smem:$0x3FB1];
	_ =	sdelay $0x3  }
0x36: {  	p1 =	seq.s32 s10, $0x1;
	s10 =	sld [smem:$0x3FB2];
	_ =	sdelay $0x3  }
0x37: {  	[smem:$0x3FB2] =	sst s10  }
0x38: {  	s10 =	sld [smem:$0x3FB3]  }
0x39: {  	_ = 	snop;
	(pc) =	sbr.ind lr, $3  }
0x3a: {  	_ = 	snop  }
0x3b: {  	_ = 	snop  }
0x3c: {  	p2 =	seq.s32 s10, $0x1;
	s10 =	sld [smem:$0x3FB2]  }
0x3d: {  	_ =	shalt  }
0x3e: {  	_ =	shalt  }
0x3f: {  	_ =	shalt  }
0x40: {  	_ =	shalt  }
0x41: {  	_ =	shalt  }
0x42: {  	_ =	shalt  }
0x43: {  	_ =	shalt  }
0x44: {  	_ =	shalt  }
0x45: {  	_ =	shalt  }
0x46: {  	_ =	shalt  }
0x47: {  	_ =	shalt  }
0x48: {  	_ =	shalt  }
0x49: {  	_ =	shalt  }
0x4a: {  	_ =	shalt  }
0x4b: {  	_ =	shalt  }
0x4c: {  	_ =	shalt  }
0x4d: {  	_ =	shalt  }
0x4e: {  	_ =	shalt  }
0x4f: {  	_ =	shalt  }
0x50: {  	_ =	shalt  }
0x51: {  	_ =	shalt  }
0x52: {  	_ =	shalt  }
0x53: {  	_ =	shalt  }
0x54: {  	_ =	shalt  }
0x55: {  	_ =	shalt  }
0x56: {  	_ =	shalt  }
0x57: {  	_ =	shalt  }
0x58: {  	_ =	shalt  }
0x59: {  	_ =	shalt  }
0x5a: {  	_ =	shalt  }
0x5b: {  	_ =	shalt  }
0x5c: {  	_ =	shalt  }
0x5d: {  	_ =	shalt  }
0x5e: {  	_ =	shalt  }
0x5f: {  	_ =	shalt  }
0x60: {  	_ =	shalt  }
0x61: {  	_ =	shalt  }
0x62: {  	_ =	shalt  }
0x63: {  	_ =	shalt  }
0x64: {  	_ =	shalt  }
0x65: {  	_ =	shalt  }
0x66: {  	_ =	shalt  }
0x67: {  	_ =	shalt  }
0x68: {  	_ =	shalt  }
0x69: {  	_ =	shalt  }
0x6a: {  	_ =	shalt  }
0x6b: {  	_ =	shalt  }
0x6c: {  	_ =	shalt  }
0x6d: {  	_ =	shalt  }
0x6e: {  	_ =	shalt  }
0x6f: {  	_ =	shalt  }
0x70: {  	_ =	shalt  }
0x71: {  	_ =	shalt  }
0x72: {  	_ =	shalt  }
0x73: {  	_ =	shalt  }
0x74: {  	_ =	shalt  }
0x75: {  	_ =	shalt  }
0x76: {  	_ =	shalt  }
0x77: {  	_ =	shalt  }
0x78: {  	_ =	shalt  }
0x79: {  	_ =	shalt  }
0x7a: {  	_ =	shalt  }
0x7b: {  	_ =	shalt  }
0x7c: {  	_ =	shalt  }
0x7d: {  	_ =	shalt  }
0x7e: {  	_ =	shalt  }
0x7f: {  	_ =	shalt  }
0x80: {  	_ =	shalt  }
0x81: {  	_ =	shalt  }
0x82: {  	_ =	shalt  }
0x83: {  	_ =	shalt  }
0x84: {  	_ =	shalt  }
0x85: {  	_ =	shalt  }
0x86: {  	_ =	shalt  }
0x87: {  	_ =	shalt  }
.Lfunc_end0:
.L_simem_size_0:
called_computation_lowered:
.L_overlay_start_0:
0x88: {  	s2 =	sld [smem:$0x3FD9]  }
0x89: {  	s3 =	sld [smem:$0x3FFE];
	_ =	sdelay $0x1  }
0x8a: {  	s1 =	srdreg.scid  }
0x8b: {  	s0 =	sand.u32 $0x1, s1  }
0x8c: {  	s16 =	sshll.u32 s0, $0xA;
	s2 =	sadd.s32 s3, s2  }
0x8d: {  	s2 =	sadd.s32 s2, s16  }
0x8e: {  	[smem:$0x3FBE] =	sst s2  }
0x8f: {  	_ = 	snop  }
0x90: {  	(tm) =	ssettm $0x1  }
0x91: {  	s17 =	sld [smem:$0x3FFB];
	_ =	sdelay $0x3  }
0x92: {  	_ =	strace s17  }
0x93: {  	s2 =	sld [smem:$0x3FFC];
	_ =	sdelay $0x3  }
0x94: {  	_ =	strace s2  }
0x95: {  	s2 =	sld [smem:$0x3FFD];
	_ =	sdelay $0x3  }
0x96: {  	_ =	strace s2  }
0x97: {  	_ =	strace $0x8FFFFFFF  }
0x98: {  	s18 =	sld [smem:$0x3FDB];
	_ =	sdelay $0x1  }
0x99: {  	s19 =	simm.s32 $_scs_section_size  }
0x9a: {  	s4 =	simm.s32 $_size__tile_overlayer_lowered;
	s5 =	simm.s32 $_tile_overlayer_lowered  }
0x9b: {  	s22 =	simm.s32 $0x1BFF;
	s21 =	sshll.u32 s5, $0x1;
	s2 =	sadd.s32 s19, s18  }
0x9c: {  	s6 =	simm.s32 $0x0;
	s20 =	sshll.u32 s4, $0x1;
	s4 =	sadd.s32 s21, s2  }
0x9d: {  	[timem:s6], [sflag:s22] =	dma.local [hbm:s4], s20  }
0x9e: {  	_ =	swait.ge [sflag:s22], s20  }
0x9f: {  	s3 =	ssub.s32 $0x0, s20;
	[sflag:s22] =	ssyncset.done $0x0  }
0xa0: {  	[sflag:s22] =	ssyncadd.s32 s3;
	_ =	sdelay $0x1  }
0xa1: {  	s23 =	simm.s32 $0x1B8B  }
0xa2: {  	_ =	swait.ge [sflag:s23], $0x1  }
0xa3: {  	[sflag:s23] =	ssyncset.done $0x0  }
0xa4: {  	s25 =	simm.s32 $0x1B8E;
	s24 =	sld [smem:$0x3FFE];
	[sflag:s23] =	ssyncadd.s32 $0xFFFFFFFF  }
0xa5: {  	s26 =	simm.s32 $execute0_lowered;
	[smem:$0x3FD2] =	sst s25  }
0xa6: {  	s4 =	sshll.u32 s26, $0x1;
	_ =	strace $0x80000046;
	[dreg:$0x1] =	wrdreg $0xFFFFFFFF  }
0xa7: {  	s28 =	simm.s32 $_size_execute0_lowered;
	s2 =	sadd.s32 s2, s4;
	[dreg:$0x0] =	wrdreg $0x0  }
0xa8: {  	s4 =	sshll.u32 s28, $0x1;
	[dreg:$0x2] =	wrdreg s2  }
0xa9: {  	[dreg:$0x3] =	wrdreg s4  }
0xaa: {  	[dreg:$0x4] =	wrdreg $0xC0  }
0xab: {  	_ =	task [dreg:s6], $0x5FFFF  }
0xac: {  	[dreg:$0x1] =	wrdreg $0xFFFFFFFF  }
0xad: {  	[dreg:$0x0] =	wrdreg $0x60  }
0xae: {  	[dreg:$0x2] =	wrdreg s24  }
0xaf: {  	[dreg:$0x3] =	wrdreg $0x0  }
0xb0: {  	[dreg:$0x4] =	wrdreg $0x9  }
0xb1: {  	_ =	task.clear_ibuf [dreg:s6], $0x5FFFF;
	_ =	strace $0x90000046  }
0xb2: {  	s29 =	simm.s32 $0x9;
	_ =	strace $0x80000048  }
0xb3: {  	_ =	swait.ge [sflag:s29], $0x1  }
0xb4: {  	[sflag:s29] =	ssyncadd.s32 $0xFFFFFFFF  }
0xb5: {  	_ =	strace $0x90000048  }
0xb6: {  	_ =	sfence  }
0xb7: {  	s30 =	sld [smem:$0x0];
	_ =	sdelay $0x2  }
0xb8: {  	s31 =	sshll.u32 s1, $0xD;
	s1 =	sshrl.u32 s1, $0x2  }
0xb9: {  	s3 =	sand.u32 $0x4000, s31;
	s1 =	sadd.s32 s1, s30  }
0xba: {  	s0 =	sor.u32 s3, s0;
	s1 =	sshll.u32 s1, $0x11  }
0xbb: {  	s0 =	sor.u32 s1, s0  }
0xbc: {  	s0 =	sadd.s32 $0x8F2B, s0  }
0xbd: {  	[sflag:s0] =	ssyncadd.remote.s32 $0x1  }
0xbe: {  	_ =	sfence.sel $0xFFFF  }
0xbf: {  	[dreg:$0x0] =	wrdreg $0xFFFFFFFF;
	(pc) =	sbr.abs _section_cstart, $3  }
0xc0: {  	[dreg:$0x1] =	wrdreg $0xFFFFFFFF  }
0xc1: {  	_ =	task.clear_ibuf [dreg:s6], $0x2FFFF;
	_ =	strace $0x9FFFFFFF  }
0xc2: {  	(tm) =	ssettm $0x7FFFFFFF  }
0xc3: {  	_ =	shalt  }
tec
execute0_lowered:
.L_overlay_start_1:
0x0: {  	(tag) =	ssettag $0x1  }
0x1: {  	s0 =	srdreg.scid  }
0x2: {  	s1 =	rddreg [dreg:$0x0];
	s17 =	stileid.u32  }
0x3: {  	s2 =	rddreg [dreg:$0x1];
	s19 =	simm.s32 $0x7;
	s28 =	simm.s32 $0x6  }
0x4: {  	s29 =	simm.s32 $0x17BB8;
	s30 =	simm.s32 $0x1B718;
	s31 =	simm.s32 $0x1  }
0x5: {  	s0 =	sand.u32 $0x1, s0;
	s10 =	smul.u32 $0x14B80, s17;
	s5 =	sadd.s32 $0x4E400, s1  }
0x6: {  	s6 =	sadd.s32 $0x1A00, s1;
	s7 =	sadd.s32 $0x2B400, s1;
	s13 =	sadd.s32 $0x82200, s1  }
0x7: {  	s23 =	sshll.u32 s17, $0x6;
	s16 =	sadd.s32 $0x14B800, s2;
	p0 =	sne.s32 s17, $0xF  }
0x8: {  	s3 =	sshll.u32 s0, $0x4;
	s12 =	ssub.s32 $0x2, s0;
	s0 =	smul.u32 $0x14C080, s0  }
0x9: {  	s20 =	sshrl.u32 @!p0 s16, $0x3;
	s4 =	sor.u32 s17, s3;
	s3 =	simm.s32 $0x0  }
0xa: {  	s9 =	sshrl.u32 s10, $0x3;
	s14 =	sshrl.u32 s12, $0x1;
	s15 =	sadd.s32 s10, s2  }
0xb: {  	s4 =	smul.u32 $0x28A0, s4;
	[smem:$0x7FF] =	sst s3;
	s9 =	sadd.s32 s9, s1  }
0xc: {  	s12 =	ssub.s32 s12, s14;
	s25 =	sadd.s32 s10, s0;
	s0 =	sshrl.u32 s0, $0x3  }
0xd: {  	s18 =	sshrl.u32 s15, $0x3;
	_ =	strace $0x80000047;
	s9 =	sadd.s32 $0x58800, s9  }
0xe: {  	s0 =	sadd.s32 s13, s0;
	s26 =	smax.u32 s12, $0x1;
	s8 =	sshrl.u32 s4, $0x3  }
0xf: {  	[dreg:$0x3] =	wrdreg s9;
	s9 =	sor.u32 $0x1C07, s23;
	s24 =	sadd.s32 $0x68, s4  }
0x10: {  	s14 =	sadd.s32 $0x138, s4;
	s0 =	sadd.s32 $0x29700, s0;
	[dreg:$0xa] =	wrdreg s26  }
0x11: {  	s23 =	simm.s32 $0x64;
	s26 =	simm.s32 $0x17510;
	s11 =	sadd.s32 s8, s1  }
0x12: {  	s1 =	sadd.s32 $0x81F00, s1;
	s8 =	sadd.s32 s5, s8;
	[dreg:$0x9] =	wrdreg s0  }
0x13: {  	s0 =	simm.s32 $0x3;
	[dreg:$0x4] =	wrdreg s1;
	s1 =	sshrl.u32 s24, $0x3  }
0x14: {  	s11 =	sadd.s32 $0x44000, s11;
	[dreg:$0x6] =	wrdreg s8;
	s1 =	sadd.s32 s5, s1  }
0x15: {  	s24 =	simm.s32 $0x4;
	[dreg:$0x7] =	wrdreg s1;
	s1 =	sshrl.u32 s25, $0x3  }
0x16: {  	s8 =	simm.s32 $0x0;
	[dreg:$0x5] =	wrdreg s11;
	s1 =	sadd.s32 s13, s1  }
0x17: {  	vm0 =	vmmov $0xff;
	s25 =	simm.s32 $0x181F8;
	[dreg:$0x8] =	wrdreg s1;
	s1 =	simm.s32 $0x2  }
.LBB2_1:
0x18: {  	s10 =	rddreg [dreg:$0x3]  }
0x19: {  	[spmem:s18], [sflag:s9] =	dma.local [hbm:s10], $0x2970  }
0x1a: {  	_ =	swait.ge [sflag:s19], $0x2970  }
0x1b: {  	[sflag:s19] =	ssyncset.done $0x0  }
0x1c: {  	s10 =	rddreg [dreg:$0x4];
	[sflag:s19] =	ssyncadd.s32 $0xFFFFD690  }
0x1d: {  	[spmem:s20], [sflag:s9] =	dma.local @!p0 [hbm:s10], $0x110  }
0x1e: {  	s10 =	simm.s32 @!p0 $0x7  }
0x1f: {  	_ =	swait.ge @!p0 [sflag:s10], $0x110  }
0x20: {  	[sflag:s10] =	ssyncset.done @!p0 $0x0  }
0x21: {  	s11 =	simm.s32 $0x14C08;
	s16 =	rddreg [dreg:$0x5];
	[sflag:s10] =	ssyncadd.s32 @!p0 $0xFFFFFEF0  }
0x22: {  	[tilespmem:s11], [sflag:$0x7] =	stream.linear.gather [hbm4b:s16+s3], $0x28A0, $0x38;
	[tilespmem:$0x1EC38] =	vst v63  }
0x23: {  	_ =	swait.ge [sflag:s19], $0x28A0  }
0x24: {  	[sflag:s19] =	ssyncset.done $0x0  }
0x25: {  	[sflag:s19] =	ssyncadd.s32 $0xFFFFD760  }
0x26: {  	[bflag:$0x0] =	sbarrier.arrive $0xFFFF  }
0x27: {  	s12 =	simm.s32 $0x174A8;
	s17 =	rddreg [dreg:$0x6]  }
0x28: {  	[tilespmem:s12], [sflag:$0x7] =	stream.linear.gather [hbm4b:s17+s3], $0x68, $0x38;
	[tilespmem:$0x1EC38] =	vst v63  }
0x29: {  	_ =	swait.ge [sflag:s19], $0x68  }
0x2a: {  	[sflag:s19] =	ssyncset.done $0x0  }
0x2b: {  	s21 =	simm.s32 $0x17578;
	[sflag:s19] =	ssyncadd.s32 $0xFFFFFF98  }
0x2c: {  	[tilespmem:s21], [sflag:$0x1] =	stream.indirect.gather [hbm4b:s7+s23], $0x10, s11, s23, $0xb8;
	[tilespmem:$0x1EC38] =	vst v63  }
0x2d: {  	_ = 	snop  }
0x2e: {  	[tilespmem:s25], [sflag:$0x1] =	stream.indirect.gather [hbm4b:s6+s23], $0x88, s12, s23, $0xb8;
	[tilespmem:$0x1EC38] =	vst v63  }
0x2f: {  	s10 =	simm.s32 $0x0;
	s22 =	rddreg [dreg:$0x7]  }
0x30: {  	[tilespmem:s26], [sflag:$0x6] =	stream.linear.gather [hbm4b:s22+s3], $0x68, $0x38;
	[tilespmem:$0x1EC38] =	vst v63  }
.LBB2_2:
0x31: {  	s11 =	smul.u32 $0x340, s10  }
0x32: {  	_ =	swait.ge [sflag:s28], $0x68  }
0x33: {  	[sflag:s28] =	ssyncset.done $0x0;
	s15 =	sshra.s32 s11, $0x2  }
0x34: {  	[sflag:s28] =	ssyncadd.s32 $0xFFFFFF98;
	s11 =	sadd.s32 $0x14C70, s15  }
0x35: {  	[tilespmem:s29], [sflag:$0x2] =	stream.indirect.gather [hbm4b:s7+s23], $0x10, s11, s23, $0xb8;
	[tilespmem:$0x1EC38] =	vst v63  }
0x36: {  	s12 =	sshll.u32 s10, $0x1  }
0x37: {  	[tilespmem:s30], [sflag:$0x2] =	stream.indirect.gather [hbm4b:s6+s23], $0x88, s26, s23, $0xb8;
	[tilespmem:$0x1EC38] =	vst v63  }
0x38: {  	p1 =	seq.s32 s10, $0x31;
	s12 =	sadd.s32 $0x2, s12;
	_ =	swait.ge [sflag:s31], $0x640  }
0x39: {  	s13 =	smul.u32 @!p1 $0x68, s12;
	[sflag:s31] =	ssyncset.done $0x0  }
0x3a: {  	[sflag:s31] =	ssyncadd.s32 $0xFFFFF9C0  }
0x3b: {  	s21 =	simm.s32 $0x18280;
	s13 =	sadd.s32 @!p1 s4, s13;
	_ =	swait.ge [sflag:s31], $0x3520  }
0x3c: {  	s16 =	simm.s32 @!p1 $0x0;
	s13 =	sshrl.u32 @!p1 s13, $0x3;
	[sflag:s31] =	ssyncset.done $0x0  }
0x3d: {  	s17 =	simm.s32 @!p1 $0x174A8;
	s13 =	sadd.s32 @!p1 s5, s13;
	[sflag:s31] =	ssyncadd.s32 $0xFFFFCAE0  }
0x3e: {  	[tilespmem:s17], [sflag:$0x5] =	stream.linear.gather @!p1 [hbm4b:s13+s16], $0x68, $0x38;
	[tilespmem:$0x1EC38] =	vst v63  }
0x3f: {  	s22 =	simm.s32 $0x17588;
	v0 =	vld [tilespmem:s21+$0x78]  }
0x40: {  	v1 =	vld [tilespmem:s22+$0x0];
	_ =	sdelay $0x3  }
0x41: {  	v2 =	vld [tilespmem:s22+$0xFFFFFFF0]  }
0x42: {  	v3 =	vld [tilespmem:s21+$0xFFFFFFF0];
	v0 =	vadd.f32 v1, v0  }
0x43: {  	v7 =	vld [tilespmem:s21+$0xFFFFFF78]  }
0x44: {  	v8 =	vld [tilespmem:s21+$0xFFFFFF88];
	v1 =	vmul.f32 $2.000000030e-01, v0  }
0x45: {  	v9 =	vld [tilespmem:s21+$0xFFFFFF98];
	vm1 =	vge.f32 v0, $0.0e+00  }
0x46: {  	v10 =	vld [tilespmem:s21+$0xFFFFFFA8];
	v0 =	vsel vm1, v0, v1  }
0x47: {  	v11 =	vld [tilespmem:s21+$0xFFFFFFB8];
	v0 =	vmul.f32 $1.442695020e+00, v0  }
0x48: {  	v12 =	vld [tilespmem:s21+$0xFFFFFFC8]  }
0x49: {  	v13 =	vld [tilespmem:s21+$0xFFFFFFD8];
	v2 =	vadd.f32 v2, v3;
	(erf) = vpow2.f32 v0  }
0x4a: {  	v14 =	vld [tilespmem:s21+$0xFFFFFFE8]  }
0x4b: {  	s13 =	simm.s32 $0x18390;
	v15 =	vld [tilespmem:s21+$0x0];
	v1 =	vmul.f32 $2.000000030e-01, v2  }
0x4c: {  	s22 =	simm.s32 $0x175A8;
	v22 =	vld [tilespmem:s13+$0xFFFFFFF0];
	vm1 =	vge.f32 v2, $0.0e+00  }
0x4d: {  	v4 =	vld [tilespmem:s22+$0x0];
	v0 =	vsel vm1, v2, v1  }
0x4e: {  	v5 =	vld [tilespmem:s22+$0xFFFFFFF0];
	v0 =	vmul.f32 $1.442695020e+00, v0  }
0x4f: {  	v1 =	vld [tilespmem:s13+$0x78]  }
0x50: {  	(erf) = vpow2.f32 v0;
	v0 =	vld [tilespmem:s21+$0x70]  }
0x51: {  	v16 =	vld [tilespmem:s21+$0x10]  }
0x52: {  	v17 =	vld [tilespmem:s21+$0x20];
	v20 =	vpop (erf)  }
0x53: {  	v18 =	vld [tilespmem:s21+$0x30];
	v2 =	vbroadcast v20, $0xF  }
0x54: {  	v19 =	vld [tilespmem:s21+$0x40];
	v22 =	vadd.f32 v5, v22;
	v34 =	vadd.f32 v4, v1  }
0x55: {  	v23 =	vld [tilespmem:s21+$0x50];
	v6 =	vmul.f32 v0, v2  }
0x56: {  	v24 =	vld [tilespmem:s21+$0x60];
	v59 =	vmul.f32 $2.000000030e-01, v22;
	v39 =	vmul.f32 $2.000000030e-01, v34  }
0x57: {  	v3 =	vld [tilespmem:s21+$0xFFFFFFF0];
	v21 =	vbroadcast v20, $0x8;
	v25 =	vbroadcast v20, $0x9;
	[tilespmem:s21+$0x70] =	vst v6  }
0x58: {  	v26 =	vbroadcast v20, $0xA;
	v38 =	vbroadcast v20, $0xB;
	v32 =	vld [tilespmem:s21+$0x78]  }
0x59: {  	v5 =	vld [tilespmem:s13+$0xFFFFFFD8];
	v40 =	vbroadcast v20, $0xC;
	v41 =	vbroadcast v20, $0xD;
	v27 =	vpop (erf)  }
0x5a: {  	v1 =	vld [tilespmem:s13+$0xFFFFFFA8];
	v58 =	vbroadcast v20, $0xE;
	v28 =	vbroadcast v27, $0x8  }
0x5b: {  	vm2 =	vge.f32 v22, $0.0e+00;
	v4 =	vld [tilespmem:s13+$0xFFFFFFC8];
	v29 =	vbroadcast v27, $0x9;
	v30 =	vbroadcast v27, $0xA  }
0x5c: {  	vm1 =	vge.f32 v34, $0.0e+00;
	v0 =	vld [tilespmem:s13+$0xFFFFFF78];
	v31 =	vbroadcast v27, $0xB;
	v33 =	vbroadcast v27, $0xC  }
0x5d: {  	v2 =	vld [tilespmem:s13+$0xFFFFFF88];
	v35 =	vbroadcast v27, $0xD;
	v36 =	vbroadcast v27, $0xE;
	v20 =	vsel vm0, v32, v20  }
0x5e: {  	v37 =	vbroadcast v27, $0xF;
	v27 =	vsel vm0, v3, v27;
	v3 =	vld [tilespmem:s13+$0xFFFFFFB8];
	[tilespmem:s21+$0x78] =	vst v20;
	v20 =	vsel vm1, v34, v39  }
0x5f: {  	v22 =	vsel vm2, v22, v59;
	v63 =	vmul.f32 v21, v15;
	v6 =	vld [tilespmem:s13+$0xFFFFFF98];
	v20 =	vmul.f32 $1.442695020e+00, v20  }
0x60: {  	v22 =	vmul.f32 $1.442695020e+00, v22;
	[tilespmem:s21+$0xFFFFFFF0] =	vst v27;
	v28 =	vmul.f32 v28, v7;
	v7 =	vld [tilespmem:s13+$0xFFFFFFE8]  }
0x61: {  	[tilespmem:s21+$0x0] =	vst v63;
	v29 =	vmul.f32 v29, v8;
	v8 =	vld [tilespmem:s13+$0x0];
	(erf) = vpow2.f32 v20  }
0x62: {  	v30 =	vmul.f32 v30, v9;
	v9 =	vld [tilespmem:s13+$0x10];
	[tilespmem:s21+$0xFFFFFF78] =	vst v28  }
0x63: {  	v60 =	vmul.f32 v10, v31;
	v10 =	vld [tilespmem:s13+$0x20];
	[tilespmem:s21+$0xFFFFFF88] =	vst v29;
	(erf) = vpow2.f32 v22  }
0x64: {  	v61 =	vmul.f32 v11, v33;
	v11 =	vld [tilespmem:s13+$0x30];
	[tilespmem:s21+$0xFFFFFF98] =	vst v30  }
0x65: {  	v62 =	vmul.f32 v14, v37;
	[tilespmem:s21+$0xFFFFFFA8] =	vst v60;
	v20 =	vmul.f32 v12, v35;
	v12 =	vld [tilespmem:s13+$0x40]  }
0x66: {  	[tilespmem:s21+$0xFFFFFFB8] =	vst v61;
	v22 =	vmul.f32 v13, v36;
	v13 =	vld [tilespmem:s13+$0x50]  }
0x67: {  	v21 =	vmul.f32 v25, v16;
	v18 =	vmul.f32 v18, v38;
	v14 =	vld [tilespmem:s13+$0x60];
	[tilespmem:s21+$0xFFFFFFE8] =	vst v62  }
0x68: {  	v16 =	vmul.f32 v23, v41;
	v15 =	vmul.f32 v24, v58;
	[tilespmem:s21+$0xFFFFFFD8] =	vst v22;
	v22 =	vld [tilespmem:s13+$0x70]  }
0x69: {  	s15 =	sadd.s32 $0x14C08, s15;
	s16 =	simm.s32 $0x2;
	s17 =	simm.s32 $0x184A0;
	[tilespmem:s21+$0xFFFFFFC8] =	vst v20;
	v20 =	vmul.f32 v26, v17;
	v17 =	vmul.f32 v19, v40;
	v19 =	vld [tilespmem:s13+$0xFFFFFFF0]  }
.LBB2_3:
0x6a: {  	v23 =	vld [tilespmem:s17+$0x78];
	s22 =	sadd.s32 $0x20, s22;
	v24 =	vpop (erf);
	[tilespmem:s21+$0x10] =	vst v21;
	v25 =	vmov v12  }
0x6b: {  	s16 =	sadd.s32 $0x2, s16;
	v12 =	vld [tilespmem:s22+$0x0];
	v21 =	vbroadcast v24, $0x8;
	v26 =	vbroadcast v24, $0xF;
	[tilespmem:s21+$0x20] =	vst v20;
	v27 =	vmov v13  }
0x6c: {  	p2 =	slt.u32 s16, $0x62;
	v20 =	vbroadcast v24, $0x9;
	v28 =	vbroadcast v24, $0xA;
	v13 =	vld [tilespmem:s22+$0xFFFFFFF0];
	v29 =	vpop (erf);
	[tilespmem:s21+$0x30] =	vst v18;
	v30 =	vmov v14  }
0x6d: {  	v14 =	vld [tilespmem:s17+$0xFFFFFFF0];
	v18 =	vbroadcast v29, $0x8;
	v22 =	vmul.f32 v22, v26;
	[tilespmem:s21+$0x40] =	vst v17  }
0x6e: {  	v26 =	vbroadcast v29, $0x9;
	v31 =	vbroadcast v29, $0xA;
	v17 =	vld [tilespmem:s17+$0xFFFFFF78];
	v19 =	vsel vm0, v19, v29;
	[tilespmem:s21+$0x50] =	vst v16  }
0x6f: {  	v32 =	vbroadcast v29, $0xB;
	v33 =	vbroadcast v29, $0xC;
	v16 =	vld [tilespmem:s17+$0xFFFFFF88];
	[tilespmem:s13+$0x70] =	vst v22  }
0x70: {  	v22 =	vbroadcast v29, $0xD;
	v12 =	vadd.f32 v12, v23;
	v23 =	vbroadcast v29, $0xE;
	v34 =	vld [tilespmem:s13+$0x78];
	[tilespmem:s21+$0x60] =	vst v15;
	s21 =	smov.u32 s13;
	s13 =	smov.u32 s17  }
0x71: {  	v29 =	vbroadcast v29, $0xF;
	v15 =	vld [tilespmem:s17+$0xFFFFFF98];
	[tilespmem:s21+$0xFFFFFFF0] =	vst v19;
	v19 =	vbroadcast v24, $0xB  }
0x72: {  	v36 =	vbroadcast v24, $0xC;
	v13 =	vadd.f32 v13, v14;
	v14 =	vld [tilespmem:s17+$0xFFFFFFA8];
	v35 =	vmul.f32 $2.000000030e-01, v12  }
0x73: {  	v38 =	vbroadcast v24, $0xD;
	v39 =	vbroadcast v24, $0xE;
	vm1 =	vge.f32 v12, $0.0e+00;
	v37 =	vld [tilespmem:s17+$0xFFFFFFB8]  }
0x74: {  	vm2 =	vge.f32 v13, $0.0e+00;
	v40 =	vmul.f32 $2.000000030e-01, v13;
	v41 =	vld [tilespmem:s17+$0xFFFFFFC8];
	v12 =	vsel vm1, v12, v35  }
0x75: {  	v18 =	vmul.f32 v18, v0;
	v0 =	vmovc v17;
	v35 =	vld [tilespmem:s17+$0xFFFFFFD8];
	v12 =	vmul.f32 $1.442695020e+00, v12;
	v24 =	vsel vm0, v34, v24  }
0x76: {  	v26 =	vmul.f32 v26, v2;
	v31 =	vmul.f32 v31, v6;
	v13 =	vsel vm2, v13, v40;
	v17 =	vld [tilespmem:s17+$0xFFFFFFE8];
	[tilespmem:s21+$0x78] =	vst v24  }
0x77: {  	v2 =	vmovc v16;
	v6 =	vmov v15;
	v13 =	vmul.f32 $1.442695020e+00, v13;
	v24 =	vld [tilespmem:s17+$0x0];
	(erf) = vpow2.f32 v12;
	[tilespmem:s21+$0xFFFFFF78] =	vst v18  }
0x78: {  	v16 =	vmul.f32 v3, v33;
	v12 =	vmul.f32 v1, v32;
	v1 =	vmovc v14;
	v15 =	vld [tilespmem:s17+$0x10];
	[tilespmem:s21+$0xFFFFFF88] =	vst v26;
	v3 =	vmov v37  }
0x79: {  	v14 =	vmul.f32 v4, v22;
	v26 =	vld [tilespmem:s17+$0x20];
	(erf) = vpow2.f32 v13;
	[tilespmem:s21+$0xFFFFFF98] =	vst v31;
	v4 =	vmov v41  }
0x7a: {  	v22 =	vmul.f32 v5, v23;
	v23 =	vmul.f32 v7, v29;
	v31 =	vld [tilespmem:s17+$0x30];
	[tilespmem:s21+$0xFFFFFFA8] =	vst v12;
	v5 =	vmov v35  }
.Ltmp0:
0x7b: {  	v29 =	vmul.f32 v21, v8;
	v21 =	vmul.f32 v20, v9;
	v12 =	vld [tilespmem:s17+$0x40];
	[tilespmem:s21+$0xFFFFFFB8] =	vst v16;
	v7 =	vmov v17;
	(pc) =	sbr.rel @p2 .LBB2_3-.Ltmp0, $4  }
0x7c: {  	v20 =	vmul.f32 v28, v10;
	v18 =	vmul.f32 v11, v19;
	v13 =	vld [tilespmem:s17+$0x50];
	[tilespmem:s21+$0xFFFFFFC8] =	vst v14;
	v8 =	vmov v24  }
0x7d: {  	v17 =	vmul.f32 v25, v36;
	v16 =	vmul.f32 v27, v38;
	v14 =	vld [tilespmem:s17+$0x60];
	[tilespmem:s21+$0xFFFFFFD8] =	vst v22;
	v9 =	vmov v15  }
0x7e: {  	v15 =	vmul.f32 v30, v39;
	v22 =	vld [tilespmem:s17+$0x70];
	[tilespmem:s21+$0xFFFFFFE8] =	vst v23;
	v10 =	vmov v26  }
0x7f: {  	s17 =	sadd.s32 $0x110, s17;
	v19 =	vld [tilespmem:s13+$0xFFFFFFF0];
	[tilespmem:s21+$0x0] =	vst v29;
	v11 =	vmov v31  }
0x80: {  	[tilespmem:s21+$0x10] =	vst v21  }
0x81: {  	v23 =	vpop (erf);
	[tilespmem:s21+$0x20] =	vst v20  }
0x82: {  	[tilespmem:s21+$0x30] =	vst v18;
	v24 =	vbroadcast v23, $0xF  }
0x83: {  	[tilespmem:s21+$0x40] =	vst v17;
	v18 =	vpop (erf)  }
0x84: {  	[tilespmem:s21+$0x50] =	vst v16;
	v22 =	vmul.f32 v22, v24;
	v17 =	vbroadcast v18, $0x8  }
0x85: {  	[tilespmem:s21+$0x60] =	vst v15;
	v16 =	vbroadcast v18, $0x9  }
0x86: {  	v15 =	vbroadcast v18, $0xA;
	v19 =	vsel vm0, v19, v18;
	[tilespmem:s13+$0x70] =	vst v22;
	v0 =	vmul.f32 v17, v0  }
0x87: {  	[tilespmem:s13+$0xFFFFFFF0] =	vst v19;
	v19 =	vbroadcast v18, $0xB;
	v2 =	vmul.f32 v16, v2  }
0x88: {  	v16 =	vbroadcast v18, $0xC;
	v6 =	vmul.f32 v15, v6;
	[tilespmem:s13+$0xFFFFFF78] =	vst v0  }
0x89: {  	v0 =	vbroadcast v18, $0xD;
	[tilespmem:s13+$0xFFFFFF88] =	vst v2;
	v1 =	vmul.f32 v1, v19  }
0x8a: {  	v20 =	vld [tilespmem:s13+$0x78];
	v2 =	vbroadcast v18, $0xE;
	v3 =	vmul.f32 v3, v16;
	[tilespmem:s13+$0xFFFFFF98] =	vst v6  }
0x8b: {  	v6 =	vbroadcast v18, $0xF;
	v0 =	vmul.f32 v4, v0;
	[tilespmem:s13+$0xFFFFFFA8] =	vst v1  }
0x8c: {  	v2 =	vmul.f32 v5, v2;
	[tilespmem:s13+$0xFFFFFFB8] =	vst v3  }
0x8d: {  	v1 =	vbroadcast v23, $0x8;
	v4 =	vmul.f32 v7, v6;
	[tilespmem:s13+$0xFFFFFFC8] =	vst v0  }
0x8e: {  	v3 =	vbroadcast v23, $0x9;
	[tilespmem:s13+$0xFFFFFFD8] =	vst v2  }
0x8f: {  	v17 =	vsel vm0, v20, v23;
	v0 =	vbroadcast v23, $0xA;
	v1 =	vmul.f32 v1, v8;
	[tilespmem:s13+$0xFFFFFFE8] =	vst v4  }
0x90: {  	v2 =	vbroadcast v23, $0xB;
	v3 =	vmul.f32 v3, v9;
	[tilespmem:s13+$0x78] =	vst v17  }
0x91: {  	v4 =	vbroadcast v23, $0xC;
	v0 =	vmul.f32 v0, v10;
	[tilespmem:s13+$0x0] =	vst v1  }
0x92: {  	v1 =	vbroadcast v23, $0xD;
	v2 =	vmul.f32 v11, v2;
	[tilespmem:s13+$0x10] =	vst v3  }
0x93: {  	v3 =	vbroadcast v23, $0xE;
	v4 =	vmul.f32 v12, v4;
	[tilespmem:s13+$0x20] =	vst v0  }
0x94: {  	v0 =	vmul.f32 v13, v1;
	[tilespmem:s13+$0x30] =	vst v2  }
0x95: {  	v1 =	vmul.f32 v14, v3;
	[tilespmem:s13+$0x40] =	vst v4  }
0x96: {  	[tilespmem:s13+$0x50] =	vst v0  }
0x97: {  	[tilespmem:s13+$0x60] =	vst v1  }
0x98: {  	[spmem:s2] =	stream.indirect.scatter.add.f32 [tilespmem:s25], [sflag:$0x3], $0x88, s15, s23, $0xb8;
	[tilespmem:$0x1EC38] =	vst v63  }
0x99: {  	_ =	swait.ge [sflag:s1], $0x640  }
0x9a: {  	s13 =	smul.u32 @!p1 $0xD0, s10;
	[sflag:s1] =	ssyncset.done $0x0  }
0x9b: {  	[sflag:s1] =	ssyncadd.s32 $0xFFFFF9C0  }
0x9c: {  	s16 =	simm.s32 @!p1 $0x17510;
	s13 =	sadd.s32 @!p1 s13, s14;
	_ =	swait.ge [sflag:s1], $0x3520  }
0x9d: {  	s21 =	simm.s32 $0x1B7A0;
	s13 =	sshrl.u32 @!p1 s13, $0x3;
	[sflag:s1] =	ssyncset.done $0x0  }
0x9e: {  	s15 =	simm.s32 @!p1 $0x0;
	s13 =	sadd.s32 @!p1 s5, s13;
	[sflag:s1] =	ssyncadd.s32 $0xFFFFCAE0  }
0x9f: {  	[tilespmem:s16], [sflag:$0x6] =	stream.linear.gather @!p1 [hbm4b:s13+s15], $0x68, $0x38;
	[tilespmem:$0x1EC38] =	vst v63  }
0xa0: {  	s22 =	simm.s32 $0x17BC8;
	v0 =	vld [tilespmem:s21+$0x78]  }
0xa1: {  	v1 =	vld [tilespmem:s22+$0x0];
	_ =	sdelay $0x3  }
0xa2: {  	v2 =	vld [tilespmem:s22+$0xFFFFFFF0]  }
0xa3: {  	v3 =	vld [tilespmem:s21+$0xFFFFFFF0];
	v0 =	vadd.f32 v1, v0  }
0xa4: {  	v7 =	vld [tilespmem:s21+$0xFFFFFF78]  }
0xa5: {  	v8 =	vld [tilespmem:s21+$0xFFFFFF88];
	v1 =	vmul.f32 $2.000000030e-01, v0  }
0xa6: {  	v9 =	vld [tilespmem:s21+$0xFFFFFF98];
	vm1 =	vge.f32 v0, $0.0e+00  }
0xa7: {  	v10 =	vld [tilespmem:s21+$0xFFFFFFA8];
	v0 =	vsel vm1, v0, v1  }
0xa8: {  	v11 =	vld [tilespmem:s21+$0xFFFFFFB8];
	v0 =	vmul.f32 $1.442695020e+00, v0  }
0xa9: {  	v12 =	vld [tilespmem:s21+$0xFFFFFFC8]  }
0xaa: {  	v13 =	vld [tilespmem:s21+$0xFFFFFFD8];
	v2 =	vadd.f32 v2, v3;
	(erf) = vpow2.f32 v0  }
0xab: {  	v14 =	vld [tilespmem:s21+$0xFFFFFFE8]  }
0xac: {  	s13 =	simm.s32 $0x1B8B0;
	v15 =	vld [tilespmem:s21+$0x0];
	v1 =	vmul.f32 $2.000000030e-01, v2  }
0xad: {  	s22 =	simm.s32 $0x17BE8;
	v22 =	vld [tilespmem:s13+$0xFFFFFFF0];
	vm1 =	vge.f32 v2, $0.0e+00  }
0xae: {  	v4 =	vld [tilespmem:s22+$0x0];
	v0 =	vsel vm1, v2, v1  }
0xaf: {  	v5 =	vld [tilespmem:s22+$0xFFFFFFF0];
	v0 =	vmul.f32 $1.442695020e+00, v0  }
0xb0: {  	v1 =	vld [tilespmem:s13+$0x78]  }
0xb1: {  	(erf) = vpow2.f32 v0;
	v0 =	vld [tilespmem:s21+$0x70]  }
0xb2: {  	v16 =	vld [tilespmem:s21+$0x10]  }
0xb3: {  	v17 =	vld [tilespmem:s21+$0x20];
	v20 =	vpop (erf)  }
0xb4: {  	v18 =	vld [tilespmem:s21+$0x30];
	v2 =	vbroadcast v20, $0xF  }
0xb5: {  	v19 =	vld [tilespmem:s21+$0x40];
	v22 =	vadd.f32 v5, v22;
	v34 =	vadd.f32 v4, v1  }
0xb6: {  	v23 =	vld [tilespmem:s21+$0x50];
	v6 =	vmul.f32 v0, v2  }
0xb7: {  	v57 =	vld [tilespmem:s21+$0x60];
	v59 =	vmul.f32 $2.000000030e-01, v22;
	v39 =	vmul.f32 $2.000000030e-01, v34  }
0xb8: {  	v3 =	vld [tilespmem:s21+$0xFFFFFFF0];
	v21 =	vbroadcast v20, $0x8;
	v25 =	vbroadcast v20, $0x9;
	[tilespmem:s21+$0x70] =	vst v6  }
0xb9: {  	v26 =	vbroadcast v20, $0xA;
	v38 =	vbroadcast v20, $0xB;
	v32 =	vld [tilespmem:s21+$0x78]  }
0xba: {  	v5 =	vld [tilespmem:s13+$0xFFFFFFD8];
	v40 =	vbroadcast v20, $0xC;
	v41 =	vbroadcast v20, $0xD;
	v27 =	vpop (erf)  }
0xbb: {  	v1 =	vld [tilespmem:s13+$0xFFFFFFA8];
	v58 =	vbroadcast v20, $0xE;
	v28 =	vbroadcast v27, $0x8  }
0xbc: {  	vm2 =	vge.f32 v22, $0.0e+00;
	v4 =	vld [tilespmem:s13+$0xFFFFFFC8];
	v29 =	vbroadcast v27, $0x9;
	v30 =	vbroadcast v27, $0xA  }
0xbd: {  	vm1 =	vge.f32 v34, $0.0e+00;
	v0 =	vld [tilespmem:s13+$0xFFFFFF78];
	v31 =	vbroadcast v27, $0xB;
	v33 =	vbroadcast v27, $0xC  }
0xbe: {  	v2 =	vld [tilespmem:s13+$0xFFFFFF88];
	v35 =	vbroadcast v27, $0xD;
	v36 =	vbroadcast v27, $0xE;
	v20 =	vsel vm0, v32, v20  }
0xbf: {  	v37 =	vbroadcast v27, $0xF;
	v27 =	vsel vm0, v3, v27;
	v3 =	vld [tilespmem:s13+$0xFFFFFFB8];
	[tilespmem:s21+$0x78] =	vst v20;
	v20 =	vsel vm1, v34, v39  }
0xc0: {  	v22 =	vsel vm2, v22, v59;
	v63 =	vmul.f32 v21, v15;
	v6 =	vld [tilespmem:s13+$0xFFFFFF98];
	v20 =	vmul.f32 $1.442695020e+00, v20  }
0xc1: {  	v22 =	vmul.f32 $1.442695020e+00, v22;
	[tilespmem:s21+$0xFFFFFFF0] =	vst v27;
	v28 =	vmul.f32 v28, v7;
	v7 =	vld [tilespmem:s13+$0xFFFFFFE8]  }
0xc2: {  	[tilespmem:s21+$0x0] =	vst v63;
	v29 =	vmul.f32 v29, v8;
	v8 =	vld [tilespmem:s13+$0x0];
	(erf) = vpow2.f32 v20  }
0xc3: {  	v30 =	vmul.f32 v30, v9;
	v9 =	vld [tilespmem:s13+$0x10];
	[tilespmem:s21+$0xFFFFFF78] =	vst v28  }
0xc4: {  	v60 =	vmul.f32 v10, v31;
	v10 =	vld [tilespmem:s13+$0x20];
	[tilespmem:s21+$0xFFFFFF88] =	vst v29;
	(erf) = vpow2.f32 v22  }
0xc5: {  	v61 =	vmul.f32 v11, v33;
	v11 =	vld [tilespmem:s13+$0x30];
	[tilespmem:s21+$0xFFFFFF98] =	vst v30  }
0xc6: {  	v62 =	vmul.f32 v14, v37;
	[tilespmem:s21+$0xFFFFFFA8] =	vst v60;
	v20 =	vmul.f32 v12, v35;
	v12 =	vld [tilespmem:s13+$0x40]  }
0xc7: {  	[tilespmem:s21+$0xFFFFFFB8] =	vst v61;
	v22 =	vmul.f32 v13, v36;
	v13 =	vld [tilespmem:s13+$0x50]  }
0xc8: {  	v21 =	vmul.f32 v25, v16;
	v18 =	vmul.f32 v18, v38;
	v14 =	vld [tilespmem:s13+$0x60];
	[tilespmem:s21+$0xFFFFFFE8] =	vst v62  }
0xc9: {  	v16 =	vmul.f32 v23, v41;
	v15 =	vmul.f32 v57, v58;
	[tilespmem:s21+$0xFFFFFFD8] =	vst v22;
	v22 =	vld [tilespmem:s13+$0x70]  }
0xca: {  	s15 =	simm.s32 $0x2;
	s16 =	simm.s32 $0x1B9C0;
	[tilespmem:s21+$0xFFFFFFC8] =	vst v20;
	v20 =	vmul.f32 v26, v17;
	v17 =	vmul.f32 v19, v40;
	v19 =	vld [tilespmem:s13+$0xFFFFFFF0]  }
.LBB2_5:
0xcb: {  	v23 =	vld [tilespmem:s16+$0x78];
	s22 =	sadd.s32 $0x20, s22;
	v24 =	vpop (erf);
	[tilespmem:s21+$0x10] =	vst v21;
	v25 =	vmov v12  }
0xcc: {  	s15 =	sadd.s32 $0x2, s15;
	v12 =	vld [tilespmem:s22+$0x0];
	v21 =	vbroadcast v24, $0x8;
	v26 =	vbroadcast v24, $0xF;
	[tilespmem:s21+$0x20] =	vst v20;
	v27 =	vmov v13  }
0xcd: {  	p2 =	slt.u32 s15, $0x62;
	v20 =	vbroadcast v24, $0x9;
	v28 =	vbroadcast v24, $0xA;
	v13 =	vld [tilespmem:s22+$0xFFFFFFF0];
	v29 =	vpop (erf);
	[tilespmem:s21+$0x30] =	vst v18;
	v30 =	vmov v14  }
0xce: {  	v14 =	vld [tilespmem:s16+$0xFFFFFFF0];
	v18 =	vbroadcast v29, $0x8;
	v22 =	vmul.f32 v22, v26;
	[tilespmem:s21+$0x40] =	vst v17  }
0xcf: {  	v26 =	vbroadcast v29, $0x9;
	v31 =	vbroadcast v29, $0xA;
	v17 =	vld [tilespmem:s16+$0xFFFFFF78];
	v19 =	vsel vm0, v19, v29;
	[tilespmem:s21+$0x50] =	vst v16  }
0xd0: {  	v32 =	vbroadcast v29, $0xB;
	v33 =	vbroadcast v29, $0xC;
	v16 =	vld [tilespmem:s16+$0xFFFFFF88];
	[tilespmem:s13+$0x70] =	vst v22  }
0xd1: {  	v22 =	vbroadcast v29, $0xD;
	v12 =	vadd.f32 v12, v23;
	v23 =	vbroadcast v29, $0xE;
	v34 =	vld [tilespmem:s13+$0x78];
	[tilespmem:s21+$0x60] =	vst v15;
	s21 =	smov.u32 s13;
	s13 =	smov.u32 s16  }
0xd2: {  	v29 =	vbroadcast v29, $0xF;
	v15 =	vld [tilespmem:s16+$0xFFFFFF98];
	[tilespmem:s21+$0xFFFFFFF0] =	vst v19;
	v19 =	vbroadcast v24, $0xB  }
0xd3: {  	v36 =	vbroadcast v24, $0xC;
	v13 =	vadd.f32 v13, v14;
	v14 =	vld [tilespmem:s16+$0xFFFFFFA8];
	v35 =	vmul.f32 $2.000000030e-01, v12  }
0xd4: {  	v38 =	vbroadcast v24, $0xD;
	v39 =	vbroadcast v24, $0xE;
	vm1 =	vge.f32 v12, $0.0e+00;
	v37 =	vld [tilespmem:s16+$0xFFFFFFB8]  }
0xd5: {  	vm2 =	vge.f32 v13, $0.0e+00;
	v40 =	vmul.f32 $2.000000030e-01, v13;
	v41 =	vld [tilespmem:s16+$0xFFFFFFC8];
	v12 =	vsel vm1, v12, v35  }
0xd6: {  	v18 =	vmul.f32 v18, v0;
	v0 =	vmovc v17;
	v35 =	vld [tilespmem:s16+$0xFFFFFFD8];
	v12 =	vmul.f32 $1.442695020e+00, v12;
	v24 =	vsel vm0, v34, v24  }
0xd7: {  	v26 =	vmul.f32 v26, v2;
	v31 =	vmul.f32 v31, v6;
	v13 =	vsel vm2, v13, v40;
	v17 =	vld [tilespmem:s16+$0xFFFFFFE8];
	[tilespmem:s21+$0x78] =	vst v24  }
0xd8: {  	v2 =	vmovc v16;
	v6 =	vmov v15;
	v13 =	vmul.f32 $1.442695020e+00, v13;
	v24 =	vld [tilespmem:s16+$0x0];
	(erf) = vpow2.f32 v12;
	[tilespmem:s21+$0xFFFFFF78] =	vst v18  }
0xd9: {  	v16 =	vmul.f32 v3, v33;
	v12 =	vmul.f32 v1, v32;
	v1 =	vmovc v14;
	v15 =	vld [tilespmem:s16+$0x10];
	[tilespmem:s21+$0xFFFFFF88] =	vst v26;
	v3 =	vmov v37  }
0xda: {  	v14 =	vmul.f32 v4, v22;
	v26 =	vld [tilespmem:s16+$0x20];
	(erf) = vpow2.f32 v13;
	[tilespmem:s21+$0xFFFFFF98] =	vst v31;
	v4 =	vmov v41  }
0xdb: {  	v22 =	vmul.f32 v5, v23;
	v23 =	vmul.f32 v7, v29;
	v31 =	vld [tilespmem:s16+$0x30];
	[tilespmem:s21+$0xFFFFFFA8] =	vst v12;
	v5 =	vmov v35  }
.Ltmp1:
0xdc: {  	v29 =	vmul.f32 v21, v8;
	v21 =	vmul.f32 v20, v9;
	v12 =	vld [tilespmem:s16+$0x40];
	[tilespmem:s21+$0xFFFFFFB8] =	vst v16;
	v7 =	vmov v17;
	(pc) =	sbr.rel @p2 .LBB2_5-.Ltmp1, $4  }
0xdd: {  	v20 =	vmul.f32 v28, v10;
	v18 =	vmul.f32 v11, v19;
	v13 =	vld [tilespmem:s16+$0x50];
	[tilespmem:s21+$0xFFFFFFC8] =	vst v14;
	v8 =	vmov v24  }
0xde: {  	v17 =	vmul.f32 v25, v36;
	v16 =	vmul.f32 v27, v38;
	v14 =	vld [tilespmem:s16+$0x60];
	[tilespmem:s21+$0xFFFFFFD8] =	vst v22;
	v9 =	vmov v15  }
0xdf: {  	v15 =	vmul.f32 v30, v39;
	v22 =	vld [tilespmem:s16+$0x70];
	[tilespmem:s21+$0xFFFFFFE8] =	vst v23;
	v10 =	vmov v26  }
0xe0: {  	s16 =	sadd.s32 $0x110, s16;
	v19 =	vld [tilespmem:s13+$0xFFFFFFF0];
	[tilespmem:s21+$0x0] =	vst v29;
	v11 =	vmov v31  }
0xe1: {  	[tilespmem:s21+$0x10] =	vst v21  }
0xe2: {  	v23 =	vpop (erf);
	[tilespmem:s21+$0x20] =	vst v20  }
0xe3: {  	[tilespmem:s21+$0x30] =	vst v18;
	v24 =	vbroadcast v23, $0xF  }
0xe4: {  	[tilespmem:s21+$0x40] =	vst v17  }
0xe5: {  	[tilespmem:s21+$0x50] =	vst v16;
	v60 =	vbroadcast v23, $0xD;
	v22 =	vmul.f32 v22, v24  }
0xe6: {  	[tilespmem:s21+$0x60] =	vst v15;
	v61 =	vbroadcast v23, $0xE;
	v44 =	vpop (erf)  }
0xe7: {  	v45 =	vbroadcast v44, $0x8;
	v62 =	vmul.f32 v13, v60;
	v19 =	vsel vm0, v19, v44;
	[tilespmem:s13+$0x70] =	vst v22  }
0xe8: {  	v46 =	vbroadcast v44, $0x9;
	v63 =	vmul.f32 v14, v61;
	[tilespmem:s13+$0xFFFFFFF0] =	vst v19  }
0xe9: {  	v47 =	vbroadcast v44, $0xA;
	v0 =	vmul.f32 v45, v0;
	[tilespmem:s13+$0x50] =	vst v62  }
0xea: {  	v49 =	vbroadcast v44, $0xB;
	v2 =	vmul.f32 v46, v2;
	[tilespmem:s13+$0x60] =	vst v63  }
0xeb: {  	v50 =	vbroadcast v44, $0xC;
	v6 =	vmul.f32 v47, v6;
	[tilespmem:s13+$0xFFFFFF78] =	vst v0  }
0xec: {  	v53 =	vbroadcast v44, $0xF;
	v1 =	vmul.f32 v1, v49;
	[tilespmem:s13+$0xFFFFFF88] =	vst v2  }
0xed: {  	v51 =	vbroadcast v44, $0xD;
	v3 =	vmul.f32 v3, v50;
	[tilespmem:s13+$0xFFFFFF98] =	vst v6  }
0xee: {  	v52 =	vbroadcast v44, $0xE;
	v56 =	vmul.f32 v7, v53;
	[tilespmem:s13+$0xFFFFFFA8] =	vst v1  }
0xef: {  	v54 =	vbroadcast v23, $0x8;
	v0 =	vmul.f32 v4, v51;
	[tilespmem:s13+$0xFFFFFFB8] =	vst v3  }
0xf0: {  	v55 =	vbroadcast v23, $0x9;
	v2 =	vmul.f32 v5, v52;
	[tilespmem:s13+$0xFFFFFFE8] =	vst v56  }
0xf1: {  	v59 =	vbroadcast v23, $0xC;
	v1 =	vmul.f32 v54, v8;
	[tilespmem:s13+$0xFFFFFFC8] =	vst v0  }
0xf2: {  	v57 =	vbroadcast v23, $0xA;
	v43 =	vld [tilespmem:s13+$0x78];
	v3 =	vmul.f32 v55, v9;
	[tilespmem:s13+$0xFFFFFFD8] =	vst v2  }
0xf3: {  	v58 =	vbroadcast v23, $0xB;
	v4 =	vmul.f32 v12, v59;
	[tilespmem:s13+$0x0] =	vst v1  }
0xf4: {  	v0 =	vmul.f32 v57, v10;
	[tilespmem:s13+$0x10] =	vst v3  }
0xf5: {  	v2 =	vmul.f32 v11, v58;
	[tilespmem:s13+$0x40] =	vst v4  }
0xf6: {  	[tilespmem:s13+$0x20] =	vst v0  }
0xf7: {  	v48 =	vsel vm0, v43, v23;
	[tilespmem:s13+$0x30] =	vst v2  }
0xf8: {  	[tilespmem:s13+$0x78] =	vst v48  }
0xf9: {  	[spmem:s2] =	stream.indirect.scatter.add.f32 [tilespmem:s30], [sflag:$0x4], $0x88, s11, s23, $0xb8;
	[tilespmem:$0x1EC38] =	vst v63  }
0xfa: {  	_ =	swait.ge [sflag:s0], $0x3520  }
0xfb: {  	[sflag:s0] =	ssyncset.done $0x0  }
0xfc: {  	s11 =	simm.s32 @!p1 $0x5;
	[sflag:s0] =	ssyncadd.s32 $0xFFFFCAE0  }
0xfd: {  	s12 =	smul.u32 @!p1 $0x1A0, s12;
	_ =	swait.ge @!p1 [sflag:s11], $0x68  }
0xfe: {  	[sflag:s11] =	ssyncset.done @!p1 $0x0  }
0xff: {  	[sflag:s11] =	ssyncadd.s32 @!p1 $0xFFFFFF98;
	s11 =	sshra.s32 @!p1 s12, $0x2  }
0x100: {  	s13 =	simm.s32 @!p1 $0x17578;
	s12 =	simm.s32 @!p1 $0x64;
	s11 =	sadd.s32 @!p1 $0x14C08, s11  }
0x101: {  	[tilespmem:s13], [sflag:$0x1] =	stream.indirect.gather @!p1 [hbm4b:s7+s12], $0x10, s11, s12, $0xb8;
	[tilespmem:$0x1EC38] =	vst v63  }
0x102: {  	s10 =	sadd.s32 $0x1, s10;
	s11 =	simm.s32 @!p1 $0x174A8;
	s13 =	simm.s32 @!p1 $0x181F8  }
0x103: {  	[tilespmem:s13], [sflag:$0x1] =	stream.indirect.gather @!p1 [hbm4b:s6+s12], $0x88, s11, s12, $0xb8;
	[tilespmem:$0x1EC38] =	vst v63  }
0x104: {  	p1 =	sne.s32 s10, $0x32  }
.Ltmp2:
0x105: {  	_ = 	snop;
	(pc) =	sbr.rel @p1 .LBB2_2-.Ltmp2, $4  }
0x106: {  	_ = 	snop  }
0x107: {  	_ =	swait.ge [sflag:s24], $0x3520  }
0x108: {  	[sflag:s24] =	ssyncset.done $0x0  }
0x109: {  	[sflag:s24] =	ssyncadd.s32 $0xFFFFCAE0  }
0x10a: {  	[bflag:$0x0] =	sbarrier.arrive $0xFFFF  }
0x10b: {  	s10 =	rddreg [dreg:$0x8]  }
0x10c: {  	[hbm:s10], [sflag:s9] =	dma.local [spmem:s18], $0x2970  }
0x10d: {  	_ =	swait.ge [sflag:s19], $0x2970  }
0x10e: {  	[sflag:s19] =	ssyncset.done $0x0  }
0x10f: {  	s10 =	rddreg [dreg:$0x9];
	[sflag:s19] =	ssyncadd.s32 $0xFFFFD690  }
0x110: {  	[hbm:s10], [sflag:s9] =	dma.local @!p0 [spmem:s20], $0x110  }
0x111: {  	s10 =	simm.s32 @!p0 $0x7  }
0x112: {  	_ =	swait.ge @!p0 [sflag:s10], $0x110  }
0x113: {  	s8 =	sadd.s32 $0x1, s8;
	s11 =	rddreg [dreg:$0xa]  }
0x114: {  	p1 =	sne.s32 s8, s11  }
.Ltmp3:
0x115: {  	_ = 	snop;
	(pc) =	sbr.rel @p1 .LBB2_1-.Ltmp3, $3  }
0x116: {  	_ =	sdelay $0x1  }
0x117: {  	[sflag:s10] =	ssyncset.done @!p0 $0x0  }
0x118: {  	[sflag:s10] =	ssyncadd.s32 @!p0 $0xFFFFFEF0  }
0x119: {  	_ =	sfence.sel $0x180000  }
0x11a: {  	[bflag:$0x0] =	sbarrier.arrive $0xFFFF  }
0x11b: {  	_ =	strace $0x90000047  }
0x11c: {  	s0 =	stileid.u32;
	[bflag:$0x2] =	sbarrier.arrive $0xFFFF  }
0x11d: {  	p0 =	sne.s32 s0, $0x0;
	s0 =	rddreg [dreg:$0x2]  }
0x11e: {  	s0 =	sadd.s32 @!p0 $0x100000, s0  }
0x11f: {  	[sflag:s0] =	ssyncadd.tile.s32 @!p0 $0x1;
	_ =	shalt  }
.Lfunc_end2:
_tile_overlayer_lowered:
.L_overlay_start_2:
0x120: {  	(tag) =	ssettag $0x2  }
0x121: {  	s0 =	rddreg [dreg:$0x0];
	s2 =	stileid.u32  }
0x122: {  	s1 =	rddreg [dreg:$0x1];
	p0 =	sne.s32 s2, $0x0  }
0x123: {  	s3 =	rddreg [dreg:$0x2];
	[bflag:$0x3] =	sbarrier.arrive $0xFFFF;
	s2 =	simm.s32 @!p0 $0x1C07  }
0x124: {  	[timem:s3], [sflag:s2] =	dma.local @!p0 [hbm:s0], s1  }
0x125: {  	s0 =	simm.s32 @!p0 $0x7  }
0x126: {  	_ =	swait.ge @!p0 [sflag:s0], s1  }
0x127: {  	s1 =	ssub.s32 @!p0 $0x0, s1;
	[sflag:s0] =	ssyncset.done @!p0 $0x0  }
0x128: {  	[sflag:s0] =	ssyncadd.s32 @!p0 s1  }
0x129: {  	[bflag:$0x3] =	sbarrier.arrive $0xFFFF  }
0x12a: {  	_ =	shalt  }

</sc_bundles>
